<compile_context>
chip_gen: v7x
topology: tpu7x:2x2x1
jax: 0.10.2.dev20260603
libtpu: 0.0.44.dev20260713+nightly
codegen_flags: <defaults>
</compile_context>

<pallas_src>
import jax
import jax.numpy as jnp
from jax import lax
from jax.experimental import pallas as pl
from jax.experimental.pallas import tpu as pltpu
from jax.experimental.pallas import tpu_sc as plsc

N = 10000
D = 128
E = 320000
NC, NS = 2, 16
NW = NC * NS
CH = 128
NP = 10112
RPT = NP // NS
BR = 1000

NCHD = 79
EPADD = NW * NCHD * CH

NCH0, NCH1 = 92, 65
NCHM = max(NCH0, NCH1)
E0 = NS * NCH0 * CH
E1CAP = NS * NCH1 * CH

_mesh = plsc.VectorSubcoreMesh(core_axis_name="c", subcore_axis_name="s")



def _deg_body(dst3, zerosD, onesD, out, deg_sh, idx_v, ones_v, dsem):
    c = lax.axis_index("c")
    s = lax.axis_index("s")
    wid = s * NC + c
    r0 = s * RPT
    pltpu.sync_copy(zerosD.at[pl.ds(r0, RPT)], deg_sh.at[pl.ds(r0, RPT)])
    pltpu.sync_copy(onesD, ones_v)
    pltpu.sync_copy(dst3.at[wid], idx_v)
    plsc.subcore_barrier()

    K = 8

    def fire(j):
        pltpu.async_copy(ones_v, deg_sh.at[idx_v.at[j]], dsem, add=True)

    def drain():
        pltpu.make_async_copy(ones_v, deg_sh.at[idx_v.at[0]], dsem).wait()

    def prol(j, carry):
        fire(j)
        return carry

    def body(j, carry):
        fire(j + K)
        drain()
        return carry

    def epil(j, carry):
        drain()
        return carry

    lax.fori_loop(0, K, prol, 0)
    lax.fori_loop(0, NCHD - K, body, 0)
    lax.fori_loop(0, K, epil, 0)
    plsc.subcore_barrier()
    pltpu.sync_copy(deg_sh.at[pl.ds(r0, RPT)], out.at[pl.ds(c * NP + r0, RPT)])


_deg_call = pl.kernel(
    _deg_body,
    out_type=jax.ShapeDtypeStruct((NC * NP, D), jnp.float32),
    mesh=_mesh,
    scratch_types=[
        pltpu.VMEM_SHARED((NP, D), jnp.float32),
        pltpu.VMEM((NCHD, CH), jnp.int32),
        pltpu.VMEM((CH, D), jnp.float32),
        pltpu.SemaphoreType.DMA,
    ],
)


def _scat_body(table, src3, dst3, zerosD, out, acc_sh, sidx, didx, rows, gsem):
    c = lax.axis_index("c")
    s = lax.axis_index("s")
    wid = s * NC + c
    r0 = s * RPT
    pltpu.sync_copy(zerosD.at[pl.ds(r0, RPT)], acc_sh.at[pl.ds(r0, RPT)])
    pltpu.sync_copy(src3.at[wid], sidx)
    pltpu.sync_copy(dst3.at[wid], didx)
    plsc.subcore_barrier()

    nch = jnp.where(c == 0, NCH0, NCH1)

    def body(j, carry):
        pltpu.async_copy(table.at[sidx.at[j]], rows, gsem).wait()
        pltpu.sync_copy(rows, acc_sh.at[didx.at[j]], add=True)
        return carry

    lax.fori_loop(0, nch, body, 0)
    plsc.subcore_barrier()
    pltpu.sync_copy(acc_sh.at[pl.ds(r0, RPT)], out.at[pl.ds(c * NP + r0, RPT)])


_scat_call = pl.kernel(
    _scat_body,
    out_type=jax.ShapeDtypeStruct((NC * NP, D), jnp.float32),
    mesh=_mesh,
    scratch_types=[
        pltpu.VMEM_SHARED((NP, D), jnp.float32),
        pltpu.VMEM((NCHM, CH), jnp.int32),
        pltpu.VMEM((NCHM, CH), jnp.int32),
        pltpu.VMEM((CH, D), jnp.float32),
        pltpu.SemaphoreType.DMA,
    ],
)


def _pad_to(a, n, fill):
    return jnp.concatenate([a, jnp.full((n - a.shape[0],), fill, a.dtype)])


def _core_slab(flat, nch, fill):
    a = flat.reshape(NS, nch, CH)
    if nch < NCHM:
        dum = jnp.full((NS, NCHM - nch, CH), fill, flat.dtype)
        a = jnp.concatenate([a, dum], axis=1)
    return a


def _prep_edges(src, dst):
    dd = _pad_to(dst, EPADD, N).reshape(NW, NCHD, CH)
    s0 = _core_slab(src[:E0], NCH0, 0)
    d0 = _core_slab(dst[:E0], NCH0, N)
    s1 = _core_slab(_pad_to(src[E0:], E1CAP, 0), NCH1, 0)
    d1 = _core_slab(_pad_to(dst[E0:], E1CAP, N), NCH1, N)
    src3 = jnp.stack([s0, s1], axis=1).reshape(NW, NCHM, CH)
    dst3 = jnp.stack([d0, d1], axis=1).reshape(NW, NCHM, CH)
    return dd, src3, dst3



def _pre_body(x_ref, w_ref, d0_ref, d1_ref, hs_ref, dinv_ref):
    x0 = jnp.clip(x_ref[...], -100.0, 100.0)
    deg = d0_ref[...][:, 0:1] + d1_ref[...][:, 0:1] + 1.0
    dinv = lax.rsqrt(deg)
    h = jnp.dot(x0, w_ref[...], preferred_element_type=jnp.float32)
    hs_ref[...] = h * dinv
    dinv_ref[...] = jnp.broadcast_to(dinv, (BR, 16))


_pre_call = pl.pallas_call(
    _pre_body,
    grid=(N // BR,),
    in_specs=[
        pl.BlockSpec((BR, D), lambda i: (i, 0)),
        pl.BlockSpec((D, D), lambda i: (0, 0)),
        pl.BlockSpec((BR, D), lambda i: (i, 0)),
        pl.BlockSpec((BR, D), lambda i: (i, 0)),
    ],
    out_specs=[
        pl.BlockSpec((BR, D), lambda i: (i, 0)),
        pl.BlockSpec((BR, 16), lambda i: (i, 0)),
    ],
    out_shape=[
        jax.ShapeDtypeStruct((N, D), jnp.float32),
        jax.ShapeDtypeStruct((N, 16), jnp.float32),
    ],
)


def _mid_body(p0_ref, p1_ref, hs_ref, dinv_ref, b_ref, w_ref, out_ref):
    dinv = dinv_ref[...][:, 0:1]
    y = dinv * (p0_ref[...] + p1_ref[...] + hs_ref[...]) + b_ref[...]
    y = jnp.maximum(y, 0.0)
    out_ref[...] = jnp.dot(y, w_ref[...], preferred_element_type=jnp.float32) * dinv


_mid_call = pl.pallas_call(
    _mid_body,
    grid=(N // BR,),
    in_specs=[
        pl.BlockSpec((BR, D), lambda i: (i, 0)),
        pl.BlockSpec((BR, D), lambda i: (i, 0)),
        pl.BlockSpec((BR, D), lambda i: (i, 0)),
        pl.BlockSpec((BR, 16), lambda i: (i, 0)),
        pl.BlockSpec((1, D), lambda i: (0, 0)),
        pl.BlockSpec((D, D), lambda i: (0, 0)),
    ],
    out_specs=pl.BlockSpec((BR, D), lambda i: (i, 0)),
    out_shape=jax.ShapeDtypeStruct((N, D), jnp.float32),
)


def _fin_body(q0_ref, q1_ref, hs_ref, dinv_ref, b_ref, x_ref, wh_ref, wx_ref,
              bg_ref, out_ref):
    x0 = jnp.clip(x_ref[...], -100.0, 100.0)
    dinv = dinv_ref[...][:, 0:1]
    h2 = dinv * (q0_ref[...] + q1_ref[...] + hs_ref[...]) + b_ref[...]
    h = jnp.maximum(h2, 0.0) + x0
    g = jax.nn.sigmoid(
        jnp.dot(h, wh_ref[...], preferred_element_type=jnp.float32)
        + jnp.dot(x0, wx_ref[...], preferred_element_type=jnp.float32)
        + bg_ref[...]
    )
    out_ref[...] = g * h + (1.0 - g) * x0


_fin_call = pl.pallas_call(
    _fin_body,
    grid=(N // BR,),
    in_specs=[
        pl.BlockSpec((BR, D), lambda i: (i, 0)),
        pl.BlockSpec((BR, D), lambda i: (i, 0)),
        pl.BlockSpec((BR, D), lambda i: (i, 0)),
        pl.BlockSpec((BR, 16), lambda i: (i, 0)),
        pl.BlockSpec((1, D), lambda i: (0, 0)),
        pl.BlockSpec((BR, D), lambda i: (i, 0)),
        pl.BlockSpec((D, D), lambda i: (0, 0)),
        pl.BlockSpec((D, D), lambda i: (0, 0)),
        pl.BlockSpec((1, D), lambda i: (0, 0)),
    ],
    out_specs=pl.BlockSpec((BR, D), lambda i: (i, 0)),
    out_shape=jax.ShapeDtypeStruct((N, D), jnp.float32),
)



@jax.jit
def kernel(x, edge_index, W1, b1, W2, b2, Wg, bg):
    src = edge_index[0].astype(jnp.int32)
    dst = edge_index[1].astype(jnp.int32)
    dd, src3, dst3 = _prep_edges(src, dst)
    zerosD = jnp.zeros((NP, D), jnp.float32)
    onesD = jnp.ones((CH, D), jnp.float32)

    degp = _deg_call(dd, zerosD, onesD)
    d0, d1 = degp[0:N], degp[NP:NP + N]

    hs1, dinv16 = _pre_call(x, W1, d0, d1)

    acc1 = _scat_call(hs1, src3, dst3, zerosD)
    hs2 = _mid_call(acc1[0:N], acc1[NP:NP + N], hs1, dinv16,
                    b1.reshape(1, D), W2)

    acc2 = _scat_call(hs2, src3, dst3, zerosD)
    out = _fin_call(acc2[0:N], acc2[NP:NP + N], hs2, dinv16,
                    b2.reshape(1, D), x, Wg[:D], Wg[D:], bg.reshape(1, D))
    return out

# --- scband reference (transcript-rebuilt; emitter-appended) ---
"""Pipeline reference for scband-gated-gcn-51238959841304 (READ-ONLY COPY).

The authoritative reference and input builder live on the scoring server;
editing this copy changes nothing except your own understanding.
"""

import jax, jax.numpy as jnp
import numpy as np

N_NODES = 10000
D_FEAT = 128
D_HID = 128
D_OUT = 128
N_EDGES = 320000


def _gcn_conv(x, src, dst, W, b, num_nodes):
    # PyG GCNConv: linear transform, then symmetric-normalized propagation with self-loops
    sl = jnp.arange(num_nodes, dtype=src.dtype)
    src_sl = jnp.concatenate([src, sl])
    dst_sl = jnp.concatenate([dst, sl])
    deg = jnp.zeros((num_nodes,), dtype=x.dtype).at[dst_sl].add(1.0)
    dinv = jnp.where(deg > 0, deg ** -0.5, 0.0)
    norm = dinv[src_sl] * dinv[dst_sl]
    h = x @ W
    msg = h[src_sl] * norm[:, None]
    out = jnp.zeros((num_nodes, W.shape[1]), dtype=x.dtype).at[dst_sl].add(msg)
    return out + b


def setup_inputs(seed: int = 0) -> dict:
    key = jax.random.key(seed)
    ks = jax.random.split(key, 8)
    x = jax.random.normal(ks[0], (N_NODES, D_FEAT), dtype=jnp.float32)
    edge_index = jax.random.randint(ks[1], (2, N_EDGES), 0, N_NODES, dtype=jnp.int64)
    # glorot-ish init for weights
    W1 = jax.random.normal(ks[2], (D_FEAT, D_HID), dtype=jnp.float32) * (1.0 / np.sqrt(D_FEAT))
    b1 = jnp.zeros((D_HID,), dtype=jnp.float32)
    W2 = jax.random.normal(ks[3], (D_HID, D_OUT), dtype=jnp.float32) * (1.0 / np.sqrt(D_HID))
    b2 = jnp.zeros((D_OUT,), dtype=jnp.float32)
    Wg = jax.random.normal(ks[4], (D_OUT + D_FEAT, D_OUT), dtype=jnp.float32) * (1.0 / np.sqrt(D_OUT + D_FEAT))
    bg = jnp.zeros((D_OUT,), dtype=jnp.float32)
    return {"x": x, "edge_index": edge_index, "W1": W1, "b1": b1, "W2": W2, "b2": b2, "Wg": Wg, "bg": bg}


def reference(x, edge_index, W1, b1, W2, b2, Wg, bg):
    num_nodes = x.shape[0]
    src, dst = edge_index[0], edge_index[1]
    x0 = jnp.clip(x, -100.0, 100.0)  # input clamp in original forward
    h = jax.nn.relu(_gcn_conv(x0, src, dst, W1, b1, num_nodes))
    # dropout p=0.3 is identity in eval mode
    h = jax.nn.relu(_gcn_conv(h, src, dst, W2, b2, num_nodes))
    # residual (shapes match since out_channels == in_channels)
    h = h + x0
    gate_input = jnp.concatenate([h, x0], axis=1)
    gate = jax.nn.sigmoid(gate_input @ Wg + bg)
    out = gate * h + (1.0 - gate) * x0
    return out

if __name__ == "__main__":
    import jax
    _d = setup_inputs()
    print(jax.jit(kernel)(*tuple(_d.values())))

</pallas_src>

<mosaic_0001>
#map = affine_map<(d0, d1) -> (0, 0, 0)>
#map1 = affine_map<(d0, d1) -> (0, 0)>
module attributes {stable_mosaic.version = 14 : i64} {
  func.func @_deg_body(%arg0: i32, %arg1: i32, %arg2: memref<32x79x128xi32, #tpu.memory_space<hbm>>, %arg3: memref<10112x128xf32, #tpu.memory_space<hbm>>, %arg4: memref<128x128xf32, #tpu.memory_space<hbm>>, %arg5: memref<20224x128xf32, #tpu.memory_space<hbm>>, %arg6: memref<10112x128xf32, #tpu.memory_space<vmem_shared>>, %arg7: memref<79x128xi32, #tpu.memory_space<vmem>>, %arg8: memref<128x128xf32, #tpu.memory_space<vmem>>, %arg9: memref<!tpu.dma_semaphore, #tpu.memory_space<semaphore_mem>>) attributes {dimension_semantics = [#tpu.dimension_semantics<core_parallel>, #tpu.dimension_semantics<subcore_parallel>], iteration_bounds = array<i64: 2, 16>, scalar_prefetch = 0 : i64, scratch_operands = 4 : i64, tpu.core_type = #tpu.core_type<sc_vector_subcore>, window_params = [{transform_indices = #map}, {transform_indices = #map1}, {transform_indices = #map1}, {transform_indices = #map1}]} {
    %mul3A = arith.constant 2 : i32
    %mul3A_0 = arith.muli %arg1, %mul3A : i32
    %add3A = arith.addi %mul3A_0, %arg0 : i32
    %mul3A_1 = arith.constant 632 : i32
    %mul3A_2 = arith.muli %arg1, %mul3A_1 : i32
    "tpu.region"() ({
      %run_scoped3A = tpu.sem_alloc : memref<!tpu.dma_semaphore, #tpu.memory_space<semaphore_mem>>
      %dma_start3A = arith.constant 0 : i32
      %dma_start3A_24 = tpu.memref_slice %arg6[%mul3A_2, %dma_start3A] : memref<10112x128xf32, #tpu.memory_space<vmem_shared>> -> memref<632x128xf32, #tpu.memory_space<vmem_shared>>
      %dma_start3A_25 = arith.constant 0 : i32
      %dma_start3A_26 = tpu.memref_slice %arg3[%mul3A_2, %dma_start3A_25] : memref<10112x128xf32, #tpu.memory_space<hbm>> -> memref<632x128xf32, #tpu.memory_space<hbm>>
      tpu.enqueue_dma source(%dma_start3A_26 : memref<632x128xf32, #tpu.memory_space<hbm>>) target(%dma_start3A_24 : memref<632x128xf32, #tpu.memory_space<vmem_shared>>) target_semaphore(%run_scoped3A : memref<!tpu.dma_semaphore, #tpu.memory_space<semaphore_mem>>)
      %dma_wait3A = arith.constant 0 : i32
      %dma_wait3A_27 = tpu.memref_slice %arg6[%mul3A_2, %dma_wait3A] : memref<10112x128xf32, #tpu.memory_space<vmem_shared>> -> memref<632x128xf32, #tpu.memory_space<vmem_shared>>
      %dma_wait3A_28 = arith.constant 0 : i32
      %dma_wait3A_29 = tpu.memref_slice %arg3[%mul3A_2, %dma_wait3A_28] : memref<10112x128xf32, #tpu.memory_space<hbm>> -> memref<632x128xf32, #tpu.memory_space<hbm>>
      tpu.wait_dma2 semaphore(%run_scoped3A : memref<!tpu.dma_semaphore, #tpu.memory_space<semaphore_mem>>) src(%dma_wait3A_29 : memref<632x128xf32, #tpu.memory_space<hbm>>) dst(%dma_wait3A_27 : memref<632x128xf32, #tpu.memory_space<vmem_shared>>)
      tpu.yield
    }) : () -> ()
    "tpu.region"() ({
      %run_scoped3A = tpu.sem_alloc : memref<!tpu.dma_semaphore, #tpu.memory_space<semaphore_mem>>
      tpu.enqueue_dma source(%arg4 : memref<128x128xf32, #tpu.memory_space<hbm>>) target(%arg8 : memref<128x128xf32, #tpu.memory_space<vmem>>) target_semaphore(%run_scoped3A : memref<!tpu.dma_semaphore, #tpu.memory_space<semaphore_mem>>)
      tpu.wait_dma2 semaphore(%run_scoped3A : memref<!tpu.dma_semaphore, #tpu.memory_space<semaphore_mem>>) src(%arg4 : memref<128x128xf32, #tpu.memory_space<hbm>>) dst(%arg8 : memref<128x128xf32, #tpu.memory_space<vmem>>)
      tpu.yield
    }) : () -> ()
    "tpu.region"() ({
      %run_scoped3A = tpu.sem_alloc : memref<!tpu.dma_semaphore, #tpu.memory_space<semaphore_mem>>
      %dma_start3A = arith.constant 0 : i32
      %dma_start3A_24 = arith.constant 0 : i32
      %dma_start3A_25 = tpu.memref_slice %arg2[%add3A, %dma_start3A, %dma_start3A_24] : memref<32x79x128xi32, #tpu.memory_space<hbm>> -> memref<1x79x128xi32, #tpu.memory_space<hbm>>
      %dma_start3A_26 = tpu.memref_squeeze %dma_start3A_25 : memref<1x79x128xi32, #tpu.memory_space<hbm>> -> memref<79x128xi32, #tpu.memory_space<hbm>>
      %dma_start3A_27 = arith.constant 0 : i32
      %dma_start3A_28 = arith.constant 0 : i32
      %dma_start3A_29 = tpu.memref_slice %arg2[%add3A, %dma_start3A_27, %dma_start3A_28] : memref<32x79x128xi32, #tpu.memory_space<hbm>> -> memref<1x79x128xi32, #tpu.memory_space<hbm>>
      %dma_start3A_30 = tpu.memref_squeeze %dma_start3A_29 : memref<1x79x128xi32, #tpu.memory_space<hbm>> -> memref<79x128xi32, #tpu.memory_space<hbm>>
      tpu.enqueue_dma source(%dma_start3A_30 : memref<79x128xi32, #tpu.memory_space<hbm>>) target(%arg7 : memref<79x128xi32, #tpu.memory_space<vmem>>) target_semaphore(%run_scoped3A : memref<!tpu.dma_semaphore, #tpu.memory_space<semaphore_mem>>)
      %dma_wait3A = arith.constant 0 : i32
      %dma_wait3A_31 = arith.constant 0 : i32
      %dma_wait3A_32 = tpu.memref_slice %arg2[%add3A, %dma_wait3A, %dma_wait3A_31] : memref<32x79x128xi32, #tpu.memory_space<hbm>> -> memref<1x79x128xi32, #tpu.memory_space<hbm>>
      %dma_wait3A_33 = tpu.memref_squeeze %dma_wait3A_32 : memref<1x79x128xi32, #tpu.memory_space<hbm>> -> memref<79x128xi32, #tpu.memory_space<hbm>>
      %dma_wait3A_34 = arith.constant 0 : i32
      %dma_wait3A_35 = arith.constant 0 : i32
      %dma_wait3A_36 = tpu.memref_slice %arg2[%add3A, %dma_wait3A_34, %dma_wait3A_35] : memref<32x79x128xi32, #tpu.memory_space<hbm>> -> memref<1x79x128xi32, #tpu.memory_space<hbm>>
      %dma_wait3A_37 = tpu.memref_squeeze %dma_wait3A_36 : memref<1x79x128xi32, #tpu.memory_space<hbm>> -> memref<79x128xi32, #tpu.memory_space<hbm>>
      tpu.wait_dma2 semaphore(%run_scoped3A : memref<!tpu.dma_semaphore, #tpu.memory_space<semaphore_mem>>) src(%dma_wait3A_37 : memref<79x128xi32, #tpu.memory_space<hbm>>) dst(%arg7 : memref<79x128xi32, #tpu.memory_space<vmem>>)
      tpu.yield
    }) : () -> ()
    %barrier3A = arith.constant 0 : index
    tpu.barrier barrier_id(%barrier3A)
    %scan3A = arith.constant 0 : i32
    %scan3A_3 = arith.constant 0 : i32
    %scan3A_4 = arith.constant 8 : i32
    %scan3A_5 = arith.addi %scan3A_3, %scan3A_4 : i32
    %scan3A_6 = arith.constant 1 : i32
    scf.for %scan3A_24 = %scan3A_3 to %scan3A_5 step %scan3A_6  : i32 {
      %dma_start3A = arith.constant 0 : i32
      %dma_start3A_25 = tpu.memref_slice %arg7[%scan3A_24, %dma_start3A] : memref<79x128xi32, #tpu.memory_space<vmem>> -> memref<1x128xi32, #tpu.memory_space<vmem>>
      %dma_start3A_26 = tpu.memref_squeeze %dma_start3A_25 : memref<1x128xi32, #tpu.memory_space<vmem>> -> memref<128xi32, #tpu.memory_space<vmem>>
      %dma_start3A_27 = arith.constant 0 : i32
      %dma_start3A_28 = arith.constant 0 : i32
      %dma_start3A_29 = tpu.memref_slice %arg6[%dma_start3A_27, %dma_start3A_28] : memref<10112x128xf32, #tpu.memory_space<vmem_shared>> -> memref<10112x128xf32, #tpu.memory_space<vmem_shared>>
      tpu.enqueue_indirect_dma source(%arg8 : memref<128x128xf32, #tpu.memory_space<vmem>>) target(%dma_start3A_29 : memref<10112x128xf32, #tpu.memory_space<vmem_shared>>) offsets(%dma_start3A_26 : memref<128xi32, #tpu.memory_space<vmem>>) semaphore(%arg9 : memref<!tpu.dma_semaphore, #tpu.memory_space<semaphore_mem>>) {add = true}
    }
    %scan3A_7 = arith.constant 8 : i32
    %scan3A_8 = arith.constant 0 : i32
    %scan3A_9 = arith.constant 0 : i32
    %scan3A_10 = arith.constant 71 : i32
    %scan3A_11 = arith.addi %scan3A_9, %scan3A_10 : i32
    %scan3A_12 = arith.constant 1 : i32
    scf.for %scan3A_24 = %scan3A_9 to %scan3A_11 step %scan3A_12  : i32 {
      %add3A_25 = arith.constant 8 : i32
      %add3A_26 = arith.addi %scan3A_24, %add3A_25 : i32
      %dma_start3A = arith.constant 0 : i32
      %dma_start3A_27 = tpu.memref_slice %arg7[%add3A_26, %dma_start3A] : memref<79x128xi32, #tpu.memory_space<vmem>> -> memref<1x128xi32, #tpu.memory_space<vmem>>
      %dma_start3A_28 = tpu.memref_squeeze %dma_start3A_27 : memref<1x128xi32, #tpu.memory_space<vmem>> -> memref<128xi32, #tpu.memory_space<vmem>>
      %dma_start3A_29 = arith.constant 0 : i32
      %dma_start3A_30 = arith.constant 0 : i32
      %dma_start3A_31 = tpu.memref_slice %arg6[%dma_start3A_29, %dma_start3A_30] : memref<10112x128xf32, #tpu.memory_space<vmem_shared>> -> memref<10112x128xf32, #tpu.memory_space<vmem_shared>>
      tpu.enqueue_indirect_dma source(%arg8 : memref<128x128xf32, #tpu.memory_space<vmem>>) target(%dma_start3A_31 : memref<10112x128xf32, #tpu.memory_space<vmem_shared>>) offsets(%dma_start3A_28 : memref<128xi32, #tpu.memory_space<vmem>>) semaphore(%arg9 : memref<!tpu.dma_semaphore, #tpu.memory_space<semaphore_mem>>) {add = true}
      %dma_wait3A = arith.constant 0 : i32
      %dma_wait3A_32 = arith.constant 0 : i32
      %dma_wait3A_33 = tpu.memref_slice %arg7[%dma_wait3A, %dma_wait3A_32] : memref<79x128xi32, #tpu.memory_space<vmem>> -> memref<1x128xi32, #tpu.memory_space<vmem>>
      %dma_wait3A_34 = tpu.memref_squeeze %dma_wait3A_33 : memref<1x128xi32, #tpu.memory_space<vmem>> -> memref<128xi32, #tpu.memory_space<vmem>>
      %dma_wait3A_35 = arith.constant 0 : i32
      %dma_wait3A_36 = arith.constant 0 : i32
      %dma_wait3A_37 = tpu.memref_slice %arg6[%dma_wait3A_35, %dma_wait3A_36] : memref<10112x128xf32, #tpu.memory_space<vmem_shared>> -> memref<10112x128xf32, #tpu.memory_space<vmem_shared>>
      tpu.wait_indirect_dma semaphore(%arg9 : memref<!tpu.dma_semaphore, #tpu.memory_space<semaphore_mem>>) src(%arg8 : memref<128x128xf32, #tpu.memory_space<vmem>>) dst(%dma_wait3A_37 : memref<10112x128xf32, #tpu.memory_space<vmem_shared>>)
    }
    %scan3A_13 = arith.constant 71 : i32
    %scan3A_14 = arith.constant 0 : i32
    %scan3A_15 = arith.constant 0 : i32
    %scan3A_16 = arith.constant 8 : i32
    %scan3A_17 = arith.addi %scan3A_15, %scan3A_16 : i32
    %scan3A_18 = arith.constant 1 : i32
    scf.for %scan3A_24 = %scan3A_15 to %scan3A_17 step %scan3A_18  : i32 {
      %dma_wait3A = arith.constant 0 : i32
      %dma_wait3A_25 = arith.constant 0 : i32
      %dma_wait3A_26 = tpu.memref_slice %arg7[%dma_wait3A, %dma_wait3A_25] : memref<79x128xi32, #tpu.memory_space<vmem>> -> memref<1x128xi32, #tpu.memory_space<vmem>>
      %dma_wait3A_27 = tpu.memref_squeeze %dma_wait3A_26 : memref<1x128xi32, #tpu.memory_space<vmem>> -> memref<128xi32, #tpu.memory_space<vmem>>
      %dma_wait3A_28 = arith.constant 0 : i32
      %dma_wait3A_29 = arith.constant 0 : i32
      %dma_wait3A_30 = tpu.memref_slice %arg6[%dma_wait3A_28, %dma_wait3A_29] : memref<10112x128xf32, #tpu.memory_space<vmem_shared>> -> memref<10112x128xf32, #tpu.memory_space<vmem_shared>>
      tpu.wait_indirect_dma semaphore(%arg9 : memref<!tpu.dma_semaphore, #tpu.memory_space<semaphore_mem>>) src(%arg8 : memref<128x128xf32, #tpu.memory_space<vmem>>) dst(%dma_wait3A_30 : memref<10112x128xf32, #tpu.memory_space<vmem_shared>>)
    }
    %scan3A_19 = arith.constant 8 : i32
    %barrier3A_20 = arith.constant 0 : index
    tpu.barrier barrier_id(%barrier3A_20)
    %mul3A_21 = arith.constant 10112 : i32
    %mul3A_22 = arith.muli %arg0, %mul3A_21 : i32
    %add3A_23 = arith.addi %mul3A_22, %mul3A_2 : i32
    "tpu.region"() ({
      %run_scoped3A = tpu.sem_alloc : memref<!tpu.dma_semaphore, #tpu.memory_space<semaphore_mem>>
      %dma_start3A = arith.constant 0 : i32
      %dma_start3A_24 = tpu.memref_slice %arg5[%add3A_23, %dma_start3A] : memref<20224x128xf32, #tpu.memory_space<hbm>> -> memref<632x128xf32, #tpu.memory_space<hbm>>
      %dma_start3A_25 = arith.constant 0 : i32
      %dma_start3A_26 = tpu.memref_slice %arg6[%mul3A_2, %dma_start3A_25] : memref<10112x128xf32, #tpu.memory_space<vmem_shared>> -> memref<632x128xf32, #tpu.memory_space<vmem_shared>>
      tpu.enqueue_dma source(%dma_start3A_26 : memref<632x128xf32, #tpu.memory_space<vmem_shared>>) target(%dma_start3A_24 : memref<632x128xf32, #tpu.memory_space<hbm>>) target_semaphore(%run_scoped3A : memref<!tpu.dma_semaphore, #tpu.memory_space<semaphore_mem>>)
      %dma_wait3A = arith.constant 0 : i32
      %dma_wait3A_27 = tpu.memref_slice %arg5[%add3A_23, %dma_wait3A] : memref<20224x128xf32, #tpu.memory_space<hbm>> -> memref<632x128xf32, #tpu.memory_space<hbm>>
      %dma_wait3A_28 = arith.constant 0 : i32
      %dma_wait3A_29 = tpu.memref_slice %arg6[%mul3A_2, %dma_wait3A_28] : memref<10112x128xf32, #tpu.memory_space<vmem_shared>> -> memref<632x128xf32, #tpu.memory_space<vmem_shared>>
      tpu.wait_dma2 semaphore(%run_scoped3A : memref<!tpu.dma_semaphore, #tpu.memory_space<semaphore_mem>>) src(%dma_wait3A_29 : memref<632x128xf32, #tpu.memory_space<vmem_shared>>) dst(%dma_wait3A_27 : memref<632x128xf32, #tpu.memory_space<hbm>>)
      tpu.yield
    }) : () -> ()
    return
  }
}

#map = affine_map<(d0, d1) -> (0, 0)>
#map1 = affine_map<(d0, d1) -> (0, 0, 0)>
module attributes {stable_mosaic.version = 14 : i64} {
  func.func @_scat_body(%arg0: i32, %arg1: i32, %arg2: memref<10000x128xf32, #tpu.memory_space<hbm>>, %arg3: memref<32x92x128xi32, #tpu.memory_space<hbm>>, %arg4: memref<32x92x128xi32, #tpu.memory_space<hbm>>, %arg5: memref<10112x128xf32, #tpu.memory_space<hbm>>, %arg6: memref<20224x128xf32, #tpu.memory_space<hbm>>, %arg7: memref<10112x128xf32, #tpu.memory_space<vmem_shared>>, %arg8: memref<92x128xi32, #tpu.memory_space<vmem>>, %arg9: memref<92x128xi32, #tpu.memory_space<vmem>>, %arg10: memref<128x128xf32, #tpu.memory_space<vmem>>, %arg11: memref<!tpu.dma_semaphore, #tpu.memory_space<semaphore_mem>>) attributes {dimension_semantics = [#tpu.dimension_semantics<core_parallel>, #tpu.dimension_semantics<subcore_parallel>], iteration_bounds = array<i64: 2, 16>, scalar_prefetch = 0 : i64, scratch_operands = 5 : i64, tpu.core_type = #tpu.core_type<sc_vector_subcore>, window_params = [{transform_indices = #map}, {transform_indices = #map1}, {transform_indices = #map1}, {transform_indices = #map}, {transform_indices = #map}]} {
    %mul3A = arith.constant 2 : i32
    %mul3A_0 = arith.muli %arg1, %mul3A : i32
    %add3A = arith.addi %mul3A_0, %arg0 : i32
    %mul3A_1 = arith.constant 632 : i32
    %mul3A_2 = arith.muli %arg1, %mul3A_1 : i32
    "tpu.region"() ({
      %run_scoped3A = tpu.sem_alloc : memref<!tpu.dma_semaphore, #tpu.memory_space<semaphore_mem>>
      %dma_start3A = arith.constant 0 : i32
      %dma_start3A_18 = tpu.memref_slice %arg7[%mul3A_2, %dma_start3A] : memref<10112x128xf32, #tpu.memory_space<vmem_shared>> -> memref<632x128xf32, #tpu.memory_space<vmem_shared>>
      %dma_start3A_19 = arith.constant 0 : i32
      %dma_start3A_20 = tpu.memref_slice %arg5[%mul3A_2, %dma_start3A_19] : memref<10112x128xf32, #tpu.memory_space<hbm>> -> memref<632x128xf32, #tpu.memory_space<hbm>>
      tpu.enqueue_dma source(%dma_start3A_20 : memref<632x128xf32, #tpu.memory_space<hbm>>) target(%dma_start3A_18 : memref<632x128xf32, #tpu.memory_space<vmem_shared>>) target_semaphore(%run_scoped3A : memref<!tpu.dma_semaphore, #tpu.memory_space<semaphore_mem>>)
      %dma_wait3A = arith.constant 0 : i32
      %dma_wait3A_21 = tpu.memref_slice %arg7[%mul3A_2, %dma_wait3A] : memref<10112x128xf32, #tpu.memory_space<vmem_shared>> -> memref<632x128xf32, #tpu.memory_space<vmem_shared>>
      %dma_wait3A_22 = arith.constant 0 : i32
      %dma_wait3A_23 = tpu.memref_slice %arg5[%mul3A_2, %dma_wait3A_22] : memref<10112x128xf32, #tpu.memory_space<hbm>> -> memref<632x128xf32, #tpu.memory_space<hbm>>
      tpu.wait_dma2 semaphore(%run_scoped3A : memref<!tpu.dma_semaphore, #tpu.memory_space<semaphore_mem>>) src(%dma_wait3A_23 : memref<632x128xf32, #tpu.memory_space<hbm>>) dst(%dma_wait3A_21 : memref<632x128xf32, #tpu.memory_space<vmem_shared>>)
      tpu.yield
    }) : () -> ()
    "tpu.region"() ({
      %run_scoped3A = tpu.sem_alloc : memref<!tpu.dma_semaphore, #tpu.memory_space<semaphore_mem>>
      %dma_start3A = arith.constant 0 : i32
      %dma_start3A_18 = arith.constant 0 : i32
      %dma_start3A_19 = tpu.memref_slice %arg3[%add3A, %dma_start3A, %dma_start3A_18] : memref<32x92x128xi32, #tpu.memory_space<hbm>> -> memref<1x92x128xi32, #tpu.memory_space<hbm>>
      %dma_start3A_20 = tpu.memref_squeeze %dma_start3A_19 : memref<1x92x128xi32, #tpu.memory_space<hbm>> -> memref<92x128xi32, #tpu.memory_space<hbm>>
      %dma_start3A_21 = arith.constant 0 : i32
      %dma_start3A_22 = arith.constant 0 : i32
      %dma_start3A_23 = tpu.memref_slice %arg3[%add3A, %dma_start3A_21, %dma_start3A_22] : memref<32x92x128xi32, #tpu.memory_space<hbm>> -> memref<1x92x128xi32, #tpu.memory_space<hbm>>
      %dma_start3A_24 = tpu.memref_squeeze %dma_start3A_23 : memref<1x92x128xi32, #tpu.memory_space<hbm>> -> memref<92x128xi32, #tpu.memory_space<hbm>>
      tpu.enqueue_dma source(%dma_start3A_24 : memref<92x128xi32, #tpu.memory_space<hbm>>) target(%arg8 : memref<92x128xi32, #tpu.memory_space<vmem>>) target_semaphore(%run_scoped3A : memref<!tpu.dma_semaphore, #tpu.memory_space<semaphore_mem>>)
      %dma_wait3A = arith.constant 0 : i32
      %dma_wait3A_25 = arith.constant 0 : i32
      %dma_wait3A_26 = tpu.memref_slice %arg3[%add3A, %dma_wait3A, %dma_wait3A_25] : memref<32x92x128xi32, #tpu.memory_space<hbm>> -> memref<1x92x128xi32, #tpu.memory_space<hbm>>
      %dma_wait3A_27 = tpu.memref_squeeze %dma_wait3A_26 : memref<1x92x128xi32, #tpu.memory_space<hbm>> -> memref<92x128xi32, #tpu.memory_space<hbm>>
      %dma_wait3A_28 = arith.constant 0 : i32
      %dma_wait3A_29 = arith.constant 0 : i32
      %dma_wait3A_30 = tpu.memref_slice %arg3[%add3A, %dma_wait3A_28, %dma_wait3A_29] : memref<32x92x128xi32, #tpu.memory_space<hbm>> -> memref<1x92x128xi32, #tpu.memory_space<hbm>>
      %dma_wait3A_31 = tpu.memref_squeeze %dma_wait3A_30 : memref<1x92x128xi32, #tpu.memory_space<hbm>> -> memref<92x128xi32, #tpu.memory_space<hbm>>
      tpu.wait_dma2 semaphore(%run_scoped3A : memref<!tpu.dma_semaphore, #tpu.memory_space<semaphore_mem>>) src(%dma_wait3A_31 : memref<92x128xi32, #tpu.memory_space<hbm>>) dst(%arg8 : memref<92x128xi32, #tpu.memory_space<vmem>>)
      tpu.yield
    }) : () -> ()
    "tpu.region"() ({
      %run_scoped3A = tpu.sem_alloc : memref<!tpu.dma_semaphore, #tpu.memory_space<semaphore_mem>>
      %dma_start3A = arith.constant 0 : i32
      %dma_start3A_18 = arith.constant 0 : i32
      %dma_start3A_19 = tpu.memref_slice %arg4[%add3A, %dma_start3A, %dma_start3A_18] : memref<32x92x128xi32, #tpu.memory_space<hbm>> -> memref<1x92x128xi32, #tpu.memory_space<hbm>>
      %dma_start3A_20 = tpu.memref_squeeze %dma_start3A_19 : memref<1x92x128xi32, #tpu.memory_space<hbm>> -> memref<92x128xi32, #tpu.memory_space<hbm>>
      %dma_start3A_21 = arith.constant 0 : i32
      %dma_start3A_22 = arith.constant 0 : i32
      %dma_start3A_23 = tpu.memref_slice %arg4[%add3A, %dma_start3A_21, %dma_start3A_22] : memref<32x92x128xi32, #tpu.memory_space<hbm>> -> memref<1x92x128xi32, #tpu.memory_space<hbm>>
      %dma_start3A_24 = tpu.memref_squeeze %dma_start3A_23 : memref<1x92x128xi32, #tpu.memory_space<hbm>> -> memref<92x128xi32, #tpu.memory_space<hbm>>
      tpu.enqueue_dma source(%dma_start3A_24 : memref<92x128xi32, #tpu.memory_space<hbm>>) target(%arg9 : memref<92x128xi32, #tpu.memory_space<vmem>>) target_semaphore(%run_scoped3A : memref<!tpu.dma_semaphore, #tpu.memory_space<semaphore_mem>>)
      %dma_wait3A = arith.constant 0 : i32
      %dma_wait3A_25 = arith.constant 0 : i32
      %dma_wait3A_26 = tpu.memref_slice %arg4[%add3A, %dma_wait3A, %dma_wait3A_25] : memref<32x92x128xi32, #tpu.memory_space<hbm>> -> memref<1x92x128xi32, #tpu.memory_space<hbm>>
      %dma_wait3A_27 = tpu.memref_squeeze %dma_wait3A_26 : memref<1x92x128xi32, #tpu.memory_space<hbm>> -> memref<92x128xi32, #tpu.memory_space<hbm>>
      %dma_wait3A_28 = arith.constant 0 : i32
      %dma_wait3A_29 = arith.constant 0 : i32
      %dma_wait3A_30 = tpu.memref_slice %arg4[%add3A, %dma_wait3A_28, %dma_wait3A_29] : memref<32x92x128xi32, #tpu.memory_space<hbm>> -> memref<1x92x128xi32, #tpu.memory_space<hbm>>
      %dma_wait3A_31 = tpu.memref_squeeze %dma_wait3A_30 : memref<1x92x128xi32, #tpu.memory_space<hbm>> -> memref<92x128xi32, #tpu.memory_space<hbm>>
      tpu.wait_dma2 semaphore(%run_scoped3A : memref<!tpu.dma_semaphore, #tpu.memory_space<semaphore_mem>>) src(%dma_wait3A_31 : memref<92x128xi32, #tpu.memory_space<hbm>>) dst(%arg9 : memref<92x128xi32, #tpu.memory_space<vmem>>)
      tpu.yield
    }) : () -> ()
    %barrier3A = arith.constant 0 : index
    tpu.barrier barrier_id(%barrier3A)
    %eq3A = arith.constant 0 : i32
    %eq3A_3 = arith.cmpi eq, %arg0, %eq3A : i32
    %jit3A = arith.constant 92 : i32
    %jit3A_4 = arith.constant 65 : i32
    %select_n3A = arith.select %eq3A_3, %jit3A, %jit3A_4 : i32
    %while3A = arith.constant 0 : i32
    %while3A_5 = arith.constant 0 : i32
    %while3A_6 = arith.subi %select_n3A, %while3A_5 : i32
    %while3A_7 = arith.addi %while3A_5, %while3A_6 : i32
    %while3A_8 = arith.constant 1 : i32
    %while3A_9 = arith.divsi %while3A_6, %while3A_8 : i32
    %while3A_10 = arith.muli %while3A_9, %while3A_8 : i32
    %while3A_11 = arith.addi %while3A_5, %while3A_10 : i32
    %while3A_12 = arith.constant 1 : i32
    scf.for %while3A_18 = %while3A_5 to %while3A_11 step %while3A_12  : i32 {
      %dma_start3A = arith.constant 0 : i32
      %dma_start3A_19 = tpu.memref_slice %arg8[%while3A_18, %dma_start3A] : memref<92x128xi32, #tpu.memory_space<vmem>> -> memref<1x128xi32, #tpu.memory_space<vmem>>
      %dma_start3A_20 = tpu.memref_squeeze %dma_start3A_19 : memref<1x128xi32, #tpu.memory_space<vmem>> -> memref<128xi32, #tpu.memory_space<vmem>>
      %dma_start3A_21 = arith.constant 0 : i32
      %dma_start3A_22 = arith.constant 0 : i32
      %dma_start3A_23 = tpu.memref_slice %arg2[%dma_start3A_21, %dma_start3A_22] : memref<10000x128xf32, #tpu.memory_space<hbm>> -> memref<10000x128xf32, #tpu.memory_space<hbm>>
      tpu.enqueue_indirect_dma source(%dma_start3A_23 : memref<10000x128xf32, #tpu.memory_space<hbm>>) target(%arg10 : memref<128x128xf32, #tpu.memory_space<vmem>>) offsets(%dma_start3A_20 : memref<128xi32, #tpu.memory_space<vmem>>) semaphore(%arg11 : memref<!tpu.dma_semaphore, #tpu.memory_space<semaphore_mem>>)
      %dma_wait3A = arith.constant 0 : i32
      %dma_wait3A_24 = tpu.memref_slice %arg8[%while3A_18, %dma_wait3A] : memref<92x128xi32, #tpu.memory_space<vmem>> -> memref<1x128xi32, #tpu.memory_space<vmem>>
      %dma_wait3A_25 = tpu.memref_squeeze %dma_wait3A_24 : memref<1x128xi32, #tpu.memory_space<vmem>> -> memref<128xi32, #tpu.memory_space<vmem>>
      %dma_wait3A_26 = arith.constant 0 : i32
      %dma_wait3A_27 = arith.constant 0 : i32
      %dma_wait3A_28 = tpu.memref_slice %arg2[%dma_wait3A_26, %dma_wait3A_27] : memref<10000x128xf32, #tpu.memory_space<hbm>> -> memref<10000x128xf32, #tpu.memory_space<hbm>>
      tpu.wait_indirect_dma semaphore(%arg11 : memref<!tpu.dma_semaphore, #tpu.memory_space<semaphore_mem>>) src(%dma_wait3A_28 : memref<10000x128xf32, #tpu.memory_space<hbm>>) dst(%arg10 : memref<128x128xf32, #tpu.memory_space<vmem>>)
      "tpu.region"() ({
        %run_scoped3A = tpu.sem_alloc : memref<!tpu.dma_semaphore, #tpu.memory_space<semaphore_mem>>
        %dma_start3A_29 = arith.constant 0 : i32
        %dma_start3A_30 = tpu.memref_slice %arg9[%while3A_18, %dma_start3A_29] : memref<92x128xi32, #tpu.memory_space<vmem>> -> memref<1x128xi32, #tpu.memory_space<vmem>>
        %dma_start3A_31 = tpu.memref_squeeze %dma_start3A_30 : memref<1x128xi32, #tpu.memory_space<vmem>> -> memref<128xi32, #tpu.memory_space<vmem>>
        %dma_start3A_32 = arith.constant 0 : i32
        %dma_start3A_33 = arith.constant 0 : i32
        %dma_start3A_34 = tpu.memref_slice %arg7[%dma_start3A_32, %dma_start3A_33] : memref<10112x128xf32, #tpu.memory_space<vmem_shared>> -> memref<10112x128xf32, #tpu.memory_space<vmem_shared>>
        tpu.enqueue_indirect_dma source(%arg10 : memref<128x128xf32, #tpu.memory_space<vmem>>) target(%dma_start3A_34 : memref<10112x128xf32, #tpu.memory_space<vmem_shared>>) offsets(%dma_start3A_31 : memref<128xi32, #tpu.memory_space<vmem>>) semaphore(%run_scoped3A : memref<!tpu.dma_semaphore, #tpu.memory_space<semaphore_mem>>) {add = true}
        %dma_wait3A_35 = arith.constant 0 : i32
        %dma_wait3A_36 = tpu.memref_slice %arg9[%while3A_18, %dma_wait3A_35] : memref<92x128xi32, #tpu.memory_space<vmem>> -> memref<1x128xi32, #tpu.memory_space<vmem>>
        %dma_wait3A_37 = tpu.memref_squeeze %dma_wait3A_36 : memref<1x128xi32, #tpu.memory_space<vmem>> -> memref<128xi32, #tpu.memory_space<vmem>>
        %dma_wait3A_38 = arith.constant 0 : i32
        %dma_wait3A_39 = arith.constant 0 : i32
        %dma_wait3A_40 = tpu.memref_slice %arg7[%dma_wait3A_38, %dma_wait3A_39] : memref<10112x128xf32, #tpu.memory_space<vmem_shared>> -> memref<10112x128xf32, #tpu.memory_space<vmem_shared>>
        tpu.wait_indirect_dma semaphore(%run_scoped3A : memref<!tpu.dma_semaphore, #tpu.memory_space<semaphore_mem>>) src(%arg10 : memref<128x128xf32, #tpu.memory_space<vmem>>) dst(%dma_wait3A_40 : memref<10112x128xf32, #tpu.memory_space<vmem_shared>>)
        tpu.yield
      }) : () -> ()
    }
    %while3A_13 = arith.constant 1 : i32
    scf.for %while3A_18 = %while3A_11 to %while3A_7 step %while3A_13  : i32 {
      %dma_start3A = arith.constant 0 : i32
      %dma_start3A_19 = tpu.memref_slice %arg8[%while3A_18, %dma_start3A] : memref<92x128xi32, #tpu.memory_space<vmem>> -> memref<1x128xi32, #tpu.memory_space<vmem>>
      %dma_start3A_20 = tpu.memref_squeeze %dma_start3A_19 : memref<1x128xi32, #tpu.memory_space<vmem>> -> memref<128xi32, #tpu.memory_space<vmem>>
      %dma_start3A_21 = arith.constant 0 : i32
      %dma_start3A_22 = arith.constant 0 : i32
      %dma_start3A_23 = tpu.memref_slice %arg2[%dma_start3A_21, %dma_start3A_22] : memref<10000x128xf32, #tpu.memory_space<hbm>> -> memref<10000x128xf32, #tpu.memory_space<hbm>>
      tpu.enqueue_indirect_dma source(%dma_start3A_23 : memref<10000x128xf32, #tpu.memory_space<hbm>>) target(%arg10 : memref<128x128xf32, #tpu.memory_space<vmem>>) offsets(%dma_start3A_20 : memref<128xi32, #tpu.memory_space<vmem>>) semaphore(%arg11 : memref<!tpu.dma_semaphore, #tpu.memory_space<semaphore_mem>>)
      %dma_wait3A = arith.constant 0 : i32
      %dma_wait3A_24 = tpu.memref_slice %arg8[%while3A_18, %dma_wait3A] : memref<92x128xi32, #tpu.memory_space<vmem>> -> memref<1x128xi32, #tpu.memory_space<vmem>>
      %dma_wait3A_25 = tpu.memref_squeeze %dma_wait3A_24 : memref<1x128xi32, #tpu.memory_space<vmem>> -> memref<128xi32, #tpu.memory_space<vmem>>
      %dma_wait3A_26 = arith.constant 0 : i32
      %dma_wait3A_27 = arith.constant 0 : i32
      %dma_wait3A_28 = tpu.memref_slice %arg2[%dma_wait3A_26, %dma_wait3A_27] : memref<10000x128xf32, #tpu.memory_space<hbm>> -> memref<10000x128xf32, #tpu.memory_space<hbm>>
      tpu.wait_indirect_dma semaphore(%arg11 : memref<!tpu.dma_semaphore, #tpu.memory_space<semaphore_mem>>) src(%dma_wait3A_28 : memref<10000x128xf32, #tpu.memory_space<hbm>>) dst(%arg10 : memref<128x128xf32, #tpu.memory_space<vmem>>)
      "tpu.region"() ({
        %run_scoped3A = tpu.sem_alloc : memref<!tpu.dma_semaphore, #tpu.memory_space<semaphore_mem>>
        %dma_start3A_29 = arith.constant 0 : i32
        %dma_start3A_30 = tpu.memref_slice %arg9[%while3A_18, %dma_start3A_29] : memref<92x128xi32, #tpu.memory_space<vmem>> -> memref<1x128xi32, #tpu.memory_space<vmem>>
        %dma_start3A_31 = tpu.memref_squeeze %dma_start3A_30 : memref<1x128xi32, #tpu.memory_space<vmem>> -> memref<128xi32, #tpu.memory_space<vmem>>
        %dma_start3A_32 = arith.constant 0 : i32
        %dma_start3A_33 = arith.constant 0 : i32
        %dma_start3A_34 = tpu.memref_slice %arg7[%dma_start3A_32, %dma_start3A_33] : memref<10112x128xf32, #tpu.memory_space<vmem_shared>> -> memref<10112x128xf32, #tpu.memory_space<vmem_shared>>
        tpu.enqueue_indirect_dma source(%arg10 : memref<128x128xf32, #tpu.memory_space<vmem>>) target(%dma_start3A_34 : memref<10112x128xf32, #tpu.memory_space<vmem_shared>>) offsets(%dma_start3A_31 : memref<128xi32, #tpu.memory_space<vmem>>) semaphore(%run_scoped3A : memref<!tpu.dma_semaphore, #tpu.memory_space<semaphore_mem>>) {add = true}
        %dma_wait3A_35 = arith.constant 0 : i32
        %dma_wait3A_36 = tpu.memref_slice %arg9[%while3A_18, %dma_wait3A_35] : memref<92x128xi32, #tpu.memory_space<vmem>> -> memref<1x128xi32, #tpu.memory_space<vmem>>
        %dma_wait3A_37 = tpu.memref_squeeze %dma_wait3A_36 : memref<1x128xi32, #tpu.memory_space<vmem>> -> memref<128xi32, #tpu.memory_space<vmem>>
        %dma_wait3A_38 = arith.constant 0 : i32
        %dma_wait3A_39 = arith.constant 0 : i32
        %dma_wait3A_40 = tpu.memref_slice %arg7[%dma_wait3A_38, %dma_wait3A_39] : memref<10112x128xf32, #tpu.memory_space<vmem_shared>> -> memref<10112x128xf32, #tpu.memory_space<vmem_shared>>
        tpu.wait_indirect_dma semaphore(%run_scoped3A : memref<!tpu.dma_semaphore, #tpu.memory_space<semaphore_mem>>) src(%arg10 : memref<128x128xf32, #tpu.memory_space<vmem>>) dst(%dma_wait3A_40 : memref<10112x128xf32, #tpu.memory_space<vmem_shared>>)
        tpu.yield
      }) : () -> ()
    }
    %barrier3A_14 = arith.constant 0 : index
    tpu.barrier barrier_id(%barrier3A_14)
    %mul3A_15 = arith.constant 10112 : i32
    %mul3A_16 = arith.muli %arg0, %mul3A_15 : i32
    %add3A_17 = arith.addi %mul3A_16, %mul3A_2 : i32
    "tpu.region"() ({
      %run_scoped3A = tpu.sem_alloc : memref<!tpu.dma_semaphore, #tpu.memory_space<semaphore_mem>>
      %dma_start3A = arith.constant 0 : i32
      %dma_start3A_18 = tpu.memref_slice %arg6[%add3A_17, %dma_start3A] : memref<20224x128xf32, #tpu.memory_space<hbm>> -> memref<632x128xf32, #tpu.memory_space<hbm>>
      %dma_start3A_19 = arith.constant 0 : i32
      %dma_start3A_20 = tpu.memref_slice %arg7[%mul3A_2, %dma_start3A_19] : memref<10112x128xf32, #tpu.memory_space<vmem_shared>> -> memref<632x128xf32, #tpu.memory_space<vmem_shared>>
      tpu.enqueue_dma source(%dma_start3A_20 : memref<632x128xf32, #tpu.memory_space<vmem_shared>>) target(%dma_start3A_18 : memref<632x128xf32, #tpu.memory_space<hbm>>) target_semaphore(%run_scoped3A : memref<!tpu.dma_semaphore, #tpu.memory_space<semaphore_mem>>)
      %dma_wait3A = arith.constant 0 : i32
      %dma_wait3A_21 = tpu.memref_slice %arg6[%add3A_17, %dma_wait3A] : memref<20224x128xf32, #tpu.memory_space<hbm>> -> memref<632x128xf32, #tpu.memory_space<hbm>>
      %dma_wait3A_22 = arith.constant 0 : i32
      %dma_wait3A_23 = tpu.memref_slice %arg7[%mul3A_2, %dma_wait3A_22] : memref<10112x128xf32, #tpu.memory_space<vmem_shared>> -> memref<632x128xf32, #tpu.memory_space<vmem_shared>>
      tpu.wait_dma2 semaphore(%run_scoped3A : memref<!tpu.dma_semaphore, #tpu.memory_space<semaphore_mem>>) src(%dma_wait3A_23 : memref<632x128xf32, #tpu.memory_space<vmem_shared>>) dst(%dma_wait3A_21 : memref<632x128xf32, #tpu.memory_space<hbm>>)
      tpu.yield
    }) : () -> ()
    return
  }
}

#map = affine_map<(d0, d1) -> (0, 0)>
#map1 = affine_map<(d0, d1) -> (0, 0, 0)>
module attributes {stable_mosaic.version = 14 : i64} {
  func.func @_scat_body(%arg0: i32, %arg1: i32, %arg2: memref<10000x128xf32, #tpu.memory_space<hbm>>, %arg3: memref<32x92x128xi32, #tpu.memory_space<hbm>>, %arg4: memref<32x92x128xi32, #tpu.memory_space<hbm>>, %arg5: memref<10112x128xf32, #tpu.memory_space<hbm>>, %arg6: memref<20224x128xf32, #tpu.memory_space<hbm>>, %arg7: memref<10112x128xf32, #tpu.memory_space<vmem_shared>>, %arg8: memref<92x128xi32, #tpu.memory_space<vmem>>, %arg9: memref<92x128xi32, #tpu.memory_space<vmem>>, %arg10: memref<128x128xf32, #tpu.memory_space<vmem>>, %arg11: memref<!tpu.dma_semaphore, #tpu.memory_space<semaphore_mem>>) attributes {dimension_semantics = [#tpu.dimension_semantics<core_parallel>, #tpu.dimension_semantics<subcore_parallel>], iteration_bounds = array<i64: 2, 16>, scalar_prefetch = 0 : i64, scratch_operands = 5 : i64, tpu.core_type = #tpu.core_type<sc_vector_subcore>, window_params = [{transform_indices = #map}, {transform_indices = #map1}, {transform_indices = #map1}, {transform_indices = #map}, {transform_indices = #map}]} {
    %mul3A = arith.constant 2 : i32
    %mul3A_0 = arith.muli %arg1, %mul3A : i32
    %add3A = arith.addi %mul3A_0, %arg0 : i32
    %mul3A_1 = arith.constant 632 : i32
    %mul3A_2 = arith.muli %arg1, %mul3A_1 : i32
    "tpu.region"() ({
      %run_scoped3A = tpu.sem_alloc : memref<!tpu.dma_semaphore, #tpu.memory_space<semaphore_mem>>
      %dma_start3A = arith.constant 0 : i32
      %dma_start3A_18 = tpu.memref_slice %arg7[%mul3A_2, %dma_start3A] : memref<10112x128xf32, #tpu.memory_space<vmem_shared>> -> memref<632x128xf32, #tpu.memory_space<vmem_shared>>
      %dma_start3A_19 = arith.constant 0 : i32
      %dma_start3A_20 = tpu.memref_slice %arg5[%mul3A_2, %dma_start3A_19] : memref<10112x128xf32, #tpu.memory_space<hbm>> -> memref<632x128xf32, #tpu.memory_space<hbm>>
      tpu.enqueue_dma source(%dma_start3A_20 : memref<632x128xf32, #tpu.memory_space<hbm>>) target(%dma_start3A_18 : memref<632x128xf32, #tpu.memory_space<vmem_shared>>) target_semaphore(%run_scoped3A : memref<!tpu.dma_semaphore, #tpu.memory_space<semaphore_mem>>)
      %dma_wait3A = arith.constant 0 : i32
      %dma_wait3A_21 = tpu.memref_slice %arg7[%mul3A_2, %dma_wait3A] : memref<10112x128xf32, #tpu.memory_space<vmem_shared>> -> memref<632x128xf32, #tpu.memory_space<vmem_shared>>
      %dma_wait3A_22 = arith.constant 0 : i32
      %dma_wait3A_23 = tpu.memref_slice %arg5[%mul3A_2, %dma_wait3A_22] : memref<10112x128xf32, #tpu.memory_space<hbm>> -> memref<632x128xf32, #tpu.memory_space<hbm>>
      tpu.wait_dma2 semaphore(%run_scoped3A : memref<!tpu.dma_semaphore, #tpu.memory_space<semaphore_mem>>) src(%dma_wait3A_23 : memref<632x128xf32, #tpu.memory_space<hbm>>) dst(%dma_wait3A_21 : memref<632x128xf32, #tpu.memory_space<vmem_shared>>)
      tpu.yield
    }) : () -> ()
    "tpu.region"() ({
      %run_scoped3A = tpu.sem_alloc : memref<!tpu.dma_semaphore, #tpu.memory_space<semaphore_mem>>
      %dma_start3A = arith.constant 0 : i32
      %dma_start3A_18 = arith.constant 0 : i32
      %dma_start3A_19 = tpu.memref_slice %arg3[%add3A, %dma_start3A, %dma_start3A_18] : memref<32x92x128xi32, #tpu.memory_space<hbm>> -> memref<1x92x128xi32, #tpu.memory_space<hbm>>
      %dma_start3A_20 = tpu.memref_squeeze %dma_start3A_19 : memref<1x92x128xi32, #tpu.memory_space<hbm>> -> memref<92x128xi32, #tpu.memory_space<hbm>>
      %dma_start3A_21 = arith.constant 0 : i32
      %dma_start3A_22 = arith.constant 0 : i32
      %dma_start3A_23 = tpu.memref_slice %arg3[%add3A, %dma_start3A_21, %dma_start3A_22] : memref<32x92x128xi32, #tpu.memory_space<hbm>> -> memref<1x92x128xi32, #tpu.memory_space<hbm>>
      %dma_start3A_24 = tpu.memref_squeeze %dma_start3A_23 : memref<1x92x128xi32, #tpu.memory_space<hbm>> -> memref<92x128xi32, #tpu.memory_space<hbm>>
      tpu.enqueue_dma source(%dma_start3A_24 : memref<92x128xi32, #tpu.memory_space<hbm>>) target(%arg8 : memref<92x128xi32, #tpu.memory_space<vmem>>) target_semaphore(%run_scoped3A : memref<!tpu.dma_semaphore, #tpu.memory_space<semaphore_mem>>)
      %dma_wait3A = arith.constant 0 : i32
      %dma_wait3A_25 = arith.constant 0 : i32
      %dma_wait3A_26 = tpu.memref_slice %arg3[%add3A, %dma_wait3A, %dma_wait3A_25] : memref<32x92x128xi32, #tpu.memory_space<hbm>> -> memref<1x92x128xi32, #tpu.memory_space<hbm>>
      %dma_wait3A_27 = tpu.memref_squeeze %dma_wait3A_26 : memref<1x92x128xi32, #tpu.memory_space<hbm>> -> memref<92x128xi32, #tpu.memory_space<hbm>>
      %dma_wait3A_28 = arith.constant 0 : i32
      %dma_wait3A_29 = arith.constant 0 : i32
      %dma_wait3A_30 = tpu.memref_slice %arg3[%add3A, %dma_wait3A_28, %dma_wait3A_29] : memref<32x92x128xi32, #tpu.memory_space<hbm>> -> memref<1x92x128xi32, #tpu.memory_space<hbm>>
      %dma_wait3A_31 = tpu.memref_squeeze %dma_wait3A_30 : memref<1x92x128xi32, #tpu.memory_space<hbm>> -> memref<92x128xi32, #tpu.memory_space<hbm>>
      tpu.wait_dma2 semaphore(%run_scoped3A : memref<!tpu.dma_semaphore, #tpu.memory_space<semaphore_mem>>) src(%dma_wait3A_31 : memref<92x128xi32, #tpu.memory_space<hbm>>) dst(%arg8 : memref<92x128xi32, #tpu.memory_space<vmem>>)
      tpu.yield
    }) : () -> ()
    "tpu.region"() ({
      %run_scoped3A = tpu.sem_alloc : memref<!tpu.dma_semaphore, #tpu.memory_space<semaphore_mem>>
      %dma_start3A = arith.constant 0 : i32
      %dma_start3A_18 = arith.constant 0 : i32
      %dma_start3A_19 = tpu.memref_slice %arg4[%add3A, %dma_start3A, %dma_start3A_18] : memref<32x92x128xi32, #tpu.memory_space<hbm>> -> memref<1x92x128xi32, #tpu.memory_space<hbm>>
      %dma_start3A_20 = tpu.memref_squeeze %dma_start3A_19 : memref<1x92x128xi32, #tpu.memory_space<hbm>> -> memref<92x128xi32, #tpu.memory_space<hbm>>
      %dma_start3A_21 = arith.constant 0 : i32
      %dma_start3A_22 = arith.constant 0 : i32
      %dma_start3A_23 = tpu.memref_slice %arg4[%add3A, %dma_start3A_21, %dma_start3A_22] : memref<32x92x128xi32, #tpu.memory_space<hbm>> -> memref<1x92x128xi32, #tpu.memory_space<hbm>>
      %dma_start3A_24 = tpu.memref_squeeze %dma_start3A_23 : memref<1x92x128xi32, #tpu.memory_space<hbm>> -> memref<92x128xi32, #tpu.memory_space<hbm>>
      tpu.enqueue_dma source(%dma_start3A_24 : memref<92x128xi32, #tpu.memory_space<hbm>>) target(%arg9 : memref<92x128xi32, #tpu.memory_space<vmem>>) target_semaphore(%run_scoped3A : memref<!tpu.dma_semaphore, #tpu.memory_space<semaphore_mem>>)
      %dma_wait3A = arith.constant 0 : i32
      %dma_wait3A_25 = arith.constant 0 : i32
      %dma_wait3A_26 = tpu.memref_slice %arg4[%add3A, %dma_wait3A, %dma_wait3A_25] : memref<32x92x128xi32, #tpu.memory_space<hbm>> -> memref<1x92x128xi32, #tpu.memory_space<hbm>>
      %dma_wait3A_27 = tpu.memref_squeeze %dma_wait3A_26 : memref<1x92x128xi32, #tpu.memory_space<hbm>> -> memref<92x128xi32, #tpu.memory_space<hbm>>
      %dma_wait3A_28 = arith.constant 0 : i32
      %dma_wait3A_29 = arith.constant 0 : i32
      %dma_wait3A_30 = tpu.memref_slice %arg4[%add3A, %dma_wait3A_28, %dma_wait3A_29] : memref<32x92x128xi32, #tpu.memory_space<hbm>> -> memref<1x92x128xi32, #tpu.memory_space<hbm>>
      %dma_wait3A_31 = tpu.memref_squeeze %dma_wait3A_30 : memref<1x92x128xi32, #tpu.memory_space<hbm>> -> memref<92x128xi32, #tpu.memory_space<hbm>>
      tpu.wait_dma2 semaphore(%run_scoped3A : memref<!tpu.dma_semaphore, #tpu.memory_space<semaphore_mem>>) src(%dma_wait3A_31 : memref<92x128xi32, #tpu.memory_space<hbm>>) dst(%arg9 : memref<92x128xi32, #tpu.memory_space<vmem>>)
      tpu.yield
    }) : () -> ()
    %barrier3A = arith.constant 0 : index
    tpu.barrier barrier_id(%barrier3A)
    %eq3A = arith.constant 0 : i32
    %eq3A_3 = arith.cmpi eq, %arg0, %eq3A : i32
    %jit3A = arith.constant 92 : i32
    %jit3A_4 = arith.constant 65 : i32
    %select_n3A = arith.select %eq3A_3, %jit3A, %jit3A_4 : i32
    %while3A = arith.constant 0 : i32
    %while3A_5 = arith.constant 0 : i32
    %while3A_6 = arith.subi %select_n3A, %while3A_5 : i32
    %while3A_7 = arith.addi %while3A_5, %while3A_6 : i32
    %while3A_8 = arith.constant 1 : i32
    %while3A_9 = arith.divsi %while3A_6, %while3A_8 : i32
    %while3A_10 = arith.muli %while3A_9, %while3A_8 : i32
    %while3A_11 = arith.addi %while3A_5, %while3A_10 : i32
    %while3A_12 = arith.constant 1 : i32
    scf.for %while3A_18 = %while3A_5 to %while3A_11 step %while3A_12  : i32 {
      %dma_start3A = arith.constant 0 : i32
      %dma_start3A_19 = tpu.memref_slice %arg8[%while3A_18, %dma_start3A] : memref<92x128xi32, #tpu.memory_space<vmem>> -> memref<1x128xi32, #tpu.memory_space<vmem>>
      %dma_start3A_20 = tpu.memref_squeeze %dma_start3A_19 : memref<1x128xi32, #tpu.memory_space<vmem>> -> memref<128xi32, #tpu.memory_space<vmem>>
      %dma_start3A_21 = arith.constant 0 : i32
      %dma_start3A_22 = arith.constant 0 : i32
      %dma_start3A_23 = tpu.memref_slice %arg2[%dma_start3A_21, %dma_start3A_22] : memref<10000x128xf32, #tpu.memory_space<hbm>> -> memref<10000x128xf32, #tpu.memory_space<hbm>>
      tpu.enqueue_indirect_dma source(%dma_start3A_23 : memref<10000x128xf32, #tpu.memory_space<hbm>>) target(%arg10 : memref<128x128xf32, #tpu.memory_space<vmem>>) offsets(%dma_start3A_20 : memref<128xi32, #tpu.memory_space<vmem>>) semaphore(%arg11 : memref<!tpu.dma_semaphore, #tpu.memory_space<semaphore_mem>>)
      %dma_wait3A = arith.constant 0 : i32
      %dma_wait3A_24 = tpu.memref_slice %arg8[%while3A_18, %dma_wait3A] : memref<92x128xi32, #tpu.memory_space<vmem>> -> memref<1x128xi32, #tpu.memory_space<vmem>>
      %dma_wait3A_25 = tpu.memref_squeeze %dma_wait3A_24 : memref<1x128xi32, #tpu.memory_space<vmem>> -> memref<128xi32, #tpu.memory_space<vmem>>
      %dma_wait3A_26 = arith.constant 0 : i32
      %dma_wait3A_27 = arith.constant 0 : i32
      %dma_wait3A_28 = tpu.memref_slice %arg2[%dma_wait3A_26, %dma_wait3A_27] : memref<10000x128xf32, #tpu.memory_space<hbm>> -> memref<10000x128xf32, #tpu.memory_space<hbm>>
      tpu.wait_indirect_dma semaphore(%arg11 : memref<!tpu.dma_semaphore, #tpu.memory_space<semaphore_mem>>) src(%dma_wait3A_28 : memref<10000x128xf32, #tpu.memory_space<hbm>>) dst(%arg10 : memref<128x128xf32, #tpu.memory_space<vmem>>)
      "tpu.region"() ({
        %run_scoped3A = tpu.sem_alloc : memref<!tpu.dma_semaphore, #tpu.memory_space<semaphore_mem>>
        %dma_start3A_29 = arith.constant 0 : i32
        %dma_start3A_30 = tpu.memref_slice %arg9[%while3A_18, %dma_start3A_29] : memref<92x128xi32, #tpu.memory_space<vmem>> -> memref<1x128xi32, #tpu.memory_space<vmem>>
        %dma_start3A_31 = tpu.memref_squeeze %dma_start3A_30 : memref<1x128xi32, #tpu.memory_space<vmem>> -> memref<128xi32, #tpu.memory_space<vmem>>
        %dma_start3A_32 = arith.constant 0 : i32
        %dma_start3A_33 = arith.constant 0 : i32
        %dma_start3A_34 = tpu.memref_slice %arg7[%dma_start3A_32, %dma_start3A_33] : memref<10112x128xf32, #tpu.memory_space<vmem_shared>> -> memref<10112x128xf32, #tpu.memory_space<vmem_shared>>
        tpu.enqueue_indirect_dma source(%arg10 : memref<128x128xf32, #tpu.memory_space<vmem>>) target(%dma_start3A_34 : memref<10112x128xf32, #tpu.memory_space<vmem_shared>>) offsets(%dma_start3A_31 : memref<128xi32, #tpu.memory_space<vmem>>) semaphore(%run_scoped3A : memref<!tpu.dma_semaphore, #tpu.memory_space<semaphore_mem>>) {add = true}
        %dma_wait3A_35 = arith.constant 0 : i32
        %dma_wait3A_36 = tpu.memref_slice %arg9[%while3A_18, %dma_wait3A_35] : memref<92x128xi32, #tpu.memory_space<vmem>> -> memref<1x128xi32, #tpu.memory_space<vmem>>
        %dma_wait3A_37 = tpu.memref_squeeze %dma_wait3A_36 : memref<1x128xi32, #tpu.memory_space<vmem>> -> memref<128xi32, #tpu.memory_space<vmem>>
        %dma_wait3A_38 = arith.constant 0 : i32
        %dma_wait3A_39 = arith.constant 0 : i32
        %dma_wait3A_40 = tpu.memref_slice %arg7[%dma_wait3A_38, %dma_wait3A_39] : memref<10112x128xf32, #tpu.memory_space<vmem_shared>> -> memref<10112x128xf32, #tpu.memory_space<vmem_shared>>
        tpu.wait_indirect_dma semaphore(%run_scoped3A : memref<!tpu.dma_semaphore, #tpu.memory_space<semaphore_mem>>) src(%arg10 : memref<128x128xf32, #tpu.memory_space<vmem>>) dst(%dma_wait3A_40 : memref<10112x128xf32, #tpu.memory_space<vmem_shared>>)
        tpu.yield
      }) : () -> ()
    }
    %while3A_13 = arith.constant 1 : i32
    scf.for %while3A_18 = %while3A_11 to %while3A_7 step %while3A_13  : i32 {
      %dma_start3A = arith.constant 0 : i32
      %dma_start3A_19 = tpu.memref_slice %arg8[%while3A_18, %dma_start3A] : memref<92x128xi32, #tpu.memory_space<vmem>> -> memref<1x128xi32, #tpu.memory_space<vmem>>
      %dma_start3A_20 = tpu.memref_squeeze %dma_start3A_19 : memref<1x128xi32, #tpu.memory_space<vmem>> -> memref<128xi32, #tpu.memory_space<vmem>>
      %dma_start3A_21 = arith.constant 0 : i32
      %dma_start3A_22 = arith.constant 0 : i32
      %dma_start3A_23 = tpu.memref_slice %arg2[%dma_start3A_21, %dma_start3A_22] : memref<10000x128xf32, #tpu.memory_space<hbm>> -> memref<10000x128xf32, #tpu.memory_space<hbm>>
      tpu.enqueue_indirect_dma source(%dma_start3A_23 : memref<10000x128xf32, #tpu.memory_space<hbm>>) target(%arg10 : memref<128x128xf32, #tpu.memory_space<vmem>>) offsets(%dma_start3A_20 : memref<128xi32, #tpu.memory_space<vmem>>) semaphore(%arg11 : memref<!tpu.dma_semaphore, #tpu.memory_space<semaphore_mem>>)
      %dma_wait3A = arith.constant 0 : i32
      %dma_wait3A_24 = tpu.memref_slice %arg8[%while3A_18, %dma_wait3A] : memref<92x128xi32, #tpu.memory_space<vmem>> -> memref<1x128xi32, #tpu.memory_space<vmem>>
      %dma_wait3A_25 = tpu.memref_squeeze %dma_wait3A_24 : memref<1x128xi32, #tpu.memory_space<vmem>> -> memref<128xi32, #tpu.memory_space<vmem>>
      %dma_wait3A_26 = arith.constant 0 : i32
      %dma_wait3A_27 = arith.constant 0 : i32
      %dma_wait3A_28 = tpu.memref_slice %arg2[%dma_wait3A_26, %dma_wait3A_27] : memref<10000x128xf32, #tpu.memory_space<hbm>> -> memref<10000x128xf32, #tpu.memory_space<hbm>>
      tpu.wait_indirect_dma semaphore(%arg11 : memref<!tpu.dma_semaphore, #tpu.memory_space<semaphore_mem>>) src(%dma_wait3A_28 : memref<10000x128xf32, #tpu.memory_space<hbm>>) dst(%arg10 : memref<128x128xf32, #tpu.memory_space<vmem>>)
      "tpu.region"() ({
        %run_scoped3A = tpu.sem_alloc : memref<!tpu.dma_semaphore, #tpu.memory_space<semaphore_mem>>
        %dma_start3A_29 = arith.constant 0 : i32
        %dma_start3A_30 = tpu.memref_slice %arg9[%while3A_18, %dma_start3A_29] : memref<92x128xi32, #tpu.memory_space<vmem>> -> memref<1x128xi32, #tpu.memory_space<vmem>>
        %dma_start3A_31 = tpu.memref_squeeze %dma_start3A_30 : memref<1x128xi32, #tpu.memory_space<vmem>> -> memref<128xi32, #tpu.memory_space<vmem>>
        %dma_start3A_32 = arith.constant 0 : i32
        %dma_start3A_33 = arith.constant 0 : i32
        %dma_start3A_34 = tpu.memref_slice %arg7[%dma_start3A_32, %dma_start3A_33] : memref<10112x128xf32, #tpu.memory_space<vmem_shared>> -> memref<10112x128xf32, #tpu.memory_space<vmem_shared>>
        tpu.enqueue_indirect_dma source(%arg10 : memref<128x128xf32, #tpu.memory_space<vmem>>) target(%dma_start3A_34 : memref<10112x128xf32, #tpu.memory_space<vmem_shared>>) offsets(%dma_start3A_31 : memref<128xi32, #tpu.memory_space<vmem>>) semaphore(%run_scoped3A : memref<!tpu.dma_semaphore, #tpu.memory_space<semaphore_mem>>) {add = true}
        %dma_wait3A_35 = arith.constant 0 : i32
        %dma_wait3A_36 = tpu.memref_slice %arg9[%while3A_18, %dma_wait3A_35] : memref<92x128xi32, #tpu.memory_space<vmem>> -> memref<1x128xi32, #tpu.memory_space<vmem>>
        %dma_wait3A_37 = tpu.memref_squeeze %dma_wait3A_36 : memref<1x128xi32, #tpu.memory_space<vmem>> -> memref<128xi32, #tpu.memory_space<vmem>>
        %dma_wait3A_38 = arith.constant 0 : i32
        %dma_wait3A_39 = arith.constant 0 : i32
        %dma_wait3A_40 = tpu.memref_slice %arg7[%dma_wait3A_38, %dma_wait3A_39] : memref<10112x128xf32, #tpu.memory_space<vmem_shared>> -> memref<10112x128xf32, #tpu.memory_space<vmem_shared>>
        tpu.wait_indirect_dma semaphore(%run_scoped3A : memref<!tpu.dma_semaphore, #tpu.memory_space<semaphore_mem>>) src(%arg10 : memref<128x128xf32, #tpu.memory_space<vmem>>) dst(%dma_wait3A_40 : memref<10112x128xf32, #tpu.memory_space<vmem_shared>>)
        tpu.yield
      }) : () -> ()
    }
    %barrier3A_14 = arith.constant 0 : index
    tpu.barrier barrier_id(%barrier3A_14)
    %mul3A_15 = arith.constant 10112 : i32
    %mul3A_16 = arith.muli %arg0, %mul3A_15 : i32
    %add3A_17 = arith.addi %mul3A_16, %mul3A_2 : i32
    "tpu.region"() ({
      %run_scoped3A = tpu.sem_alloc : memref<!tpu.dma_semaphore, #tpu.memory_space<semaphore_mem>>
      %dma_start3A = arith.constant 0 : i32
      %dma_start3A_18 = tpu.memref_slice %arg6[%add3A_17, %dma_start3A] : memref<20224x128xf32, #tpu.memory_space<hbm>> -> memref<632x128xf32, #tpu.memory_space<hbm>>
      %dma_start3A_19 = arith.constant 0 : i32
      %dma_start3A_20 = tpu.memref_slice %arg7[%mul3A_2, %dma_start3A_19] : memref<10112x128xf32, #tpu.memory_space<vmem_shared>> -> memref<632x128xf32, #tpu.memory_space<vmem_shared>>
      tpu.enqueue_dma source(%dma_start3A_20 : memref<632x128xf32, #tpu.memory_space<vmem_shared>>) target(%dma_start3A_18 : memref<632x128xf32, #tpu.memory_space<hbm>>) target_semaphore(%run_scoped3A : memref<!tpu.dma_semaphore, #tpu.memory_space<semaphore_mem>>)
      %dma_wait3A = arith.constant 0 : i32
      %dma_wait3A_21 = tpu.memref_slice %arg6[%add3A_17, %dma_wait3A] : memref<20224x128xf32, #tpu.memory_space<hbm>> -> memref<632x128xf32, #tpu.memory_space<hbm>>
      %dma_wait3A_22 = arith.constant 0 : i32
      %dma_wait3A_23 = tpu.memref_slice %arg7[%mul3A_2, %dma_wait3A_22] : memref<10112x128xf32, #tpu.memory_space<vmem_shared>> -> memref<632x128xf32, #tpu.memory_space<vmem_shared>>
      tpu.wait_dma2 semaphore(%run_scoped3A : memref<!tpu.dma_semaphore, #tpu.memory_space<semaphore_mem>>) src(%dma_wait3A_23 : memref<632x128xf32, #tpu.memory_space<vmem_shared>>) dst(%dma_wait3A_21 : memref<632x128xf32, #tpu.memory_space<hbm>>)
      tpu.yield
    }) : () -> ()
    return
  }
}

module attributes {stable_mosaic.version = 14 : i64} {
  func.func @_pre_body(%arg0: i32, %arg1: memref<1000x128xf32, #tpu.memory_space<vmem>>, %arg2: memref<128x128xf32, #tpu.memory_space<vmem>>, %arg3: memref<1000x128xf32, #tpu.memory_space<vmem>>, %arg4: memref<1000x128xf32, #tpu.memory_space<vmem>>, %arg5: memref<1000x128xf32, #tpu.memory_space<vmem>>, %arg6: memref<1000x16xf32, #tpu.memory_space<vmem>>) attributes {dimension_semantics = [#tpu.dimension_semantics<arbitrary>], iteration_bounds = array<i64: 10>, scalar_prefetch = 0 : i64, scratch_operands = 0 : i64, tpu.core_type = #tpu.core_type<tc>, window_params = [{transform_indices = @transform_0, window_bounds = array<i64: 1000, 128>}, {pipeline_mode = #tpu.pipeline_mode<synchronous>, transform_indices = @transform_1, window_bounds = array<i64: 128, 128>}, {transform_indices = @transform_2, window_bounds = array<i64: 1000, 128>}, {transform_indices = @transform_3, window_bounds = array<i64: 1000, 128>}, {transform_indices = @transform_4, window_bounds = array<i64: 1000, 128>}, {transform_indices = @transform_5, window_bounds = array<i64: 1000, 16>}]} {
    %get3A = arith.constant 0 : index
    %get3A_0 = arith.constant 0 : index
    %get3A_1 = vector.load %arg1[%get3A, %get3A_0] : memref<1000x128xf32, #tpu.memory_space<vmem>>, vector<1000x128xf32>
    %jit3A = arith.constant -1.000000e+02 : f32
    %jit3A_2 = arith.constant 1.000000e+02 : f32
    %max3A = vector.broadcast %jit3A : f32 to vector<1000x128xf32>
    %max3A_3 = arith.maximumf %max3A, %get3A_1 : vector<1000x128xf32>
    %min3A = vector.broadcast %jit3A_2 : f32 to vector<1000x128xf32>
    %min3A_4 = arith.minimumf %min3A, %max3A_3 : vector<1000x128xf32>
    %get3A_5 = arith.constant 0 : index
    %get3A_6 = arith.constant 0 : index
    %get3A_7 = vector.load %arg3[%get3A_5, %get3A_6] : memref<1000x128xf32, #tpu.memory_space<vmem>>, vector<1000x128xf32>
    %slice3A = vector.extract_strided_slice %get3A_7 {offsets = [0, 0], sizes = [1000, 1], strides = [1, 1]} : vector<1000x128xf32> to vector<1000x1xf32>
    %get3A_8 = arith.constant 0 : index
    %get3A_9 = arith.constant 0 : index
    %get3A_10 = vector.load %arg4[%get3A_8, %get3A_9] : memref<1000x128xf32, #tpu.memory_space<vmem>>, vector<1000x128xf32>
    %slice3A_11 = vector.extract_strided_slice %get3A_10 {offsets = [0, 0], sizes = [1000, 1], strides = [1, 1]} : vector<1000x128xf32> to vector<1000x1xf32>
    %add3A = arith.addf %slice3A, %slice3A_11 : vector<1000x1xf32>
    %add3A_12 = arith.constant 1.000000e+00 : f32
    %add3A_13 = vector.broadcast %add3A_12 : f32 to vector<1000x1xf32>
    %add3A_14 = arith.addf %add3A, %add3A_13 : vector<1000x1xf32>
    %rsqrt3A = math.rsqrt %add3A_14 : vector<1000x1xf32>
    %get3A_15 = arith.constant 0 : index
    %get3A_16 = arith.constant 0 : index
    %get3A_17 = vector.load %arg2[%get3A_15, %get3A_16] : memref<128x128xf32, #tpu.memory_space<vmem>>, vector<128x128xf32>
    %dot_general3A = arith.constant dense<0.000000e+00> : vector<1000x128xf32>
    %dot_general3A_18 = tpu.matmul %min3A_4, %get3A_17, %dot_general3A {dimension_numbers = #tpu.dot_dimension_numbers<[1], [0], [0], [1], [0, 0, 1, 1], [], []>, transpose_lhs_hint = false} : vector<1000x128xf32>, vector<128x128xf32>, vector<1000x128xf32> -> vector<1000x128xf32>
    %mul3A = vector.broadcast %rsqrt3A : vector<1000x1xf32> to vector<1000x128xf32>
    %mul3A_19 = arith.mulf %dot_general3A_18, %mul3A : vector<1000x128xf32>
    %swap3A = arith.constant 0 : index
    %swap3A_20 = arith.constant 0 : index
    %swap3A_21 = vector.load %arg5[%swap3A, %swap3A_20] : memref<1000x128xf32, #tpu.memory_space<vmem>>, vector<1000x128xf32>
    tpu.vector_store %arg5[%swap3A, %swap3A_20], %mul3A_19 {strides = array<i32>} : memref<1000x128xf32, #tpu.memory_space<vmem>>, vector<1000x128xf32>,
    %broadcast_in_dim3A = vector.shape_cast %rsqrt3A : vector<1000x1xf32> to vector<1000x1xf32>
    %broadcast_in_dim3A_22 = vector.broadcast %broadcast_in_dim3A : vector<1000x1xf32> to vector<1000x16xf32>
    %swap3A_23 = arith.constant 0 : index
    %swap3A_24 = arith.constant 0 : index
    %swap3A_25 = vector.load %arg6[%swap3A_23, %swap3A_24] : memref<1000x16xf32, #tpu.memory_space<vmem>>, vector<1000x16xf32>
    tpu.vector_store %arg6[%swap3A_23, %swap3A_24], %broadcast_in_dim3A_22 {strides = array<i32>} : memref<1000x16xf32, #tpu.memory_space<vmem>>, vector<1000x16xf32>,
    return
  }
  func.func @transform_0(%arg0: i32) -> (i32, i32) {
    %c0_i32 = arith.constant 0 : i32
    %c0_i32_0 = arith.constant 0 : i32
    return %arg0, %c0_i32 : i32, i32
  }
  func.func @transform_1(%arg0: i32) -> (i32, i32) {
    %c0_i32 = arith.constant 0 : i32
    %c0_i32_0 = arith.constant 0 : i32
    %c0_i32_1 = arith.constant 0 : i32
    return %c0_i32, %c0_i32_0 : i32, i32
  }
  func.func @transform_2(%arg0: i32) -> (i32, i32) {
    %c0_i32 = arith.constant 0 : i32
    %c0_i32_0 = arith.constant 0 : i32
    return %arg0, %c0_i32 : i32, i32
  }
  func.func @transform_3(%arg0: i32) -> (i32, i32) {
    %c0_i32 = arith.constant 0 : i32
    %c0_i32_0 = arith.constant 0 : i32
    return %arg0, %c0_i32 : i32, i32
  }
  func.func @transform_4(%arg0: i32) -> (i32, i32) {
    %c0_i32 = arith.constant 0 : i32
    %c0_i32_0 = arith.constant 0 : i32
    return %arg0, %c0_i32 : i32, i32
  }
  func.func @transform_5(%arg0: i32) -> (i32, i32) {
    %c0_i32 = arith.constant 0 : i32
    %c0_i32_0 = arith.constant 0 : i32
    return %arg0, %c0_i32 : i32, i32
  }
}

module attributes {stable_mosaic.version = 14 : i64} {
  func.func @_mid_body(%arg0: i32, %arg1: memref<1000x128xf32, #tpu.memory_space<vmem>>, %arg2: memref<1000x128xf32, #tpu.memory_space<vmem>>, %arg3: memref<1000x128xf32, #tpu.memory_space<vmem>>, %arg4: memref<1000x16xf32, #tpu.memory_space<vmem>>, %arg5: memref<1x128xf32, #tpu.memory_space<vmem>>, %arg6: memref<128x128xf32, #tpu.memory_space<vmem>>, %arg7: memref<1000x128xf32, #tpu.memory_space<vmem>>) attributes {dimension_semantics = [#tpu.dimension_semantics<arbitrary>], iteration_bounds = array<i64: 10>, scalar_prefetch = 0 : i64, scratch_operands = 0 : i64, tpu.core_type = #tpu.core_type<tc>, window_params = [{transform_indices = @transform_0, window_bounds = array<i64: 1000, 128>}, {transform_indices = @transform_1, window_bounds = array<i64: 1000, 128>}, {transform_indices = @transform_2, window_bounds = array<i64: 1000, 128>}, {transform_indices = @transform_3, window_bounds = array<i64: 1000, 16>}, {pipeline_mode = #tpu.pipeline_mode<synchronous>, transform_indices = @transform_4, window_bounds = array<i64: 1, 128>}, {pipeline_mode = #tpu.pipeline_mode<synchronous>, transform_indices = @transform_5, window_bounds = array<i64: 128, 128>}, {transform_indices = @transform_6, window_bounds = array<i64: 1000, 128>}]} {
    %get3A = arith.constant 0 : index
    %get3A_0 = arith.constant 0 : index
    %get3A_1 = vector.load %arg4[%get3A, %get3A_0] : memref<1000x16xf32, #tpu.memory_space<vmem>>, vector<1000x16xf32>
    %slice3A = vector.extract_strided_slice %get3A_1 {offsets = [0, 0], sizes = [1000, 1], strides = [1, 1]} : vector<1000x16xf32> to vector<1000x1xf32>
    %get3A_2 = arith.constant 0 : index
    %get3A_3 = arith.constant 0 : index
    %get3A_4 = vector.load %arg1[%get3A_2, %get3A_3] : memref<1000x128xf32, #tpu.memory_space<vmem>>, vector<1000x128xf32>
    %get3A_5 = arith.constant 0 : index
    %get3A_6 = arith.constant 0 : index
    %get3A_7 = vector.load %arg2[%get3A_5, %get3A_6] : memref<1000x128xf32, #tpu.memory_space<vmem>>, vector<1000x128xf32>
    %add3A = arith.addf %get3A_4, %get3A_7 : vector<1000x128xf32>
    %get3A_8 = arith.constant 0 : index
    %get3A_9 = arith.constant 0 : index
    %get3A_10 = vector.load %arg3[%get3A_8, %get3A_9] : memref<1000x128xf32, #tpu.memory_space<vmem>>, vector<1000x128xf32>
    %add3A_11 = arith.addf %add3A, %get3A_10 : vector<1000x128xf32>
    %mul3A = vector.broadcast %slice3A : vector<1000x1xf32> to vector<1000x128xf32>
    %mul3A_12 = arith.mulf %mul3A, %add3A_11 : vector<1000x128xf32>
    %get3A_13 = arith.constant 0 : index
    %get3A_14 = arith.constant 0 : index
    %get3A_15 = vector.load %arg5[%get3A_13, %get3A_14] : memref<1x128xf32, #tpu.memory_space<vmem>>, vector<1x128xf32>
    %add3A_16 = vector.broadcast %get3A_15 : vector<1x128xf32> to vector<1000x128xf32>
    %add3A_17 = arith.addf %mul3A_12, %add3A_16 : vector<1000x128xf32>
    %max3A = arith.constant 0.000000e+00 : f32
    %max3A_18 = vector.broadcast %max3A : f32 to vector<1000x128xf32>
    %max3A_19 = arith.maximumf %add3A_17, %max3A_18 : vector<1000x128xf32>
    %get3A_20 = arith.constant 0 : index
    %get3A_21 = arith.constant 0 : index
    %get3A_22 = vector.load %arg6[%get3A_20, %get3A_21] : memref<128x128xf32, #tpu.memory_space<vmem>>, vector<128x128xf32>
    %dot_general3A = arith.constant dense<0.000000e+00> : vector<1000x128xf32>
    %dot_general3A_23 = tpu.matmul %max3A_19, %get3A_22, %dot_general3A {dimension_numbers = #tpu.dot_dimension_numbers<[1], [0], [0], [1], [0, 0, 1, 1], [], []>, transpose_lhs_hint = false} : vector<1000x128xf32>, vector<128x128xf32>, vector<1000x128xf32> -> vector<1000x128xf32>
    %mul3A_24 = vector.broadcast %slice3A : vector<1000x1xf32> to vector<1000x128xf32>
    %mul3A_25 = arith.mulf %dot_general3A_23, %mul3A_24 : vector<1000x128xf32>
    %swap3A = arith.constant 0 : index
    %swap3A_26 = arith.constant 0 : index
    %swap3A_27 = vector.load %arg7[%swap3A, %swap3A_26] : memref<1000x128xf32, #tpu.memory_space<vmem>>, vector<1000x128xf32>
    tpu.vector_store %arg7[%swap3A, %swap3A_26], %mul3A_25 {strides = array<i32>} : memref<1000x128xf32, #tpu.memory_space<vmem>>, vector<1000x128xf32>,
    return
  }
  func.func @transform_0(%arg0: i32) -> (i32, i32) {
    %c0_i32 = arith.constant 0 : i32
    %c0_i32_0 = arith.constant 0 : i32
    return %arg0, %c0_i32 : i32, i32
  }
  func.func @transform_1(%arg0: i32) -> (i32, i32) {
    %c0_i32 = arith.constant 0 : i32
    %c0_i32_0 = arith.constant 0 : i32
    return %arg0, %c0_i32 : i32, i32
  }
  func.func @transform_2(%arg0: i32) -> (i32, i32) {
    %c0_i32 = arith.constant 0 : i32
    %c0_i32_0 = arith.constant 0 : i32
    return %arg0, %c0_i32 : i32, i32
  }
  func.func @transform_3(%arg0: i32) -> (i32, i32) {
    %c0_i32 = arith.constant 0 : i32
    %c0_i32_0 = arith.constant 0 : i32
    return %arg0, %c0_i32 : i32, i32
  }
  func.func @transform_4(%arg0: i32) -> (i32, i32) {
    %c0_i32 = arith.constant 0 : i32
    %c0_i32_0 = arith.constant 0 : i32
    %c0_i32_1 = arith.constant 0 : i32
    return %c0_i32, %c0_i32_0 : i32, i32
  }
  func.func @transform_5(%arg0: i32) -> (i32, i32) {
    %c0_i32 = arith.constant 0 : i32
    %c0_i32_0 = arith.constant 0 : i32
    %c0_i32_1 = arith.constant 0 : i32
    return %c0_i32, %c0_i32_0 : i32, i32
  }
  func.func @transform_6(%arg0: i32) -> (i32, i32) {
    %c0_i32 = arith.constant 0 : i32
    %c0_i32_0 = arith.constant 0 : i32
    return %arg0, %c0_i32 : i32, i32
  }
}

module attributes {stable_mosaic.version = 14 : i64} {
  func.func @_fin_body(%arg0: i32, %arg1: memref<1000x128xf32, #tpu.memory_space<vmem>>, %arg2: memref<1000x128xf32, #tpu.memory_space<vmem>>, %arg3: memref<1000x128xf32, #tpu.memory_space<vmem>>, %arg4: memref<1000x16xf32, #tpu.memory_space<vmem>>, %arg5: memref<1x128xf32, #tpu.memory_space<vmem>>, %arg6: memref<1000x128xf32, #tpu.memory_space<vmem>>, %arg7: memref<128x128xf32, #tpu.memory_space<vmem>>, %arg8: memref<128x128xf32, #tpu.memory_space<vmem>>, %arg9: memref<1x128xf32, #tpu.memory_space<vmem>>, %arg10: memref<1000x128xf32, #tpu.memory_space<vmem>>) attributes {dimension_semantics = [#tpu.dimension_semantics<arbitrary>], iteration_bounds = array<i64: 10>, scalar_prefetch = 0 : i64, scratch_operands = 0 : i64, tpu.core_type = #tpu.core_type<tc>, window_params = [{transform_indices = @transform_0, window_bounds = array<i64: 1000, 128>}, {transform_indices = @transform_1, window_bounds = array<i64: 1000, 128>}, {transform_indices = @transform_2, window_bounds = array<i64: 1000, 128>}, {transform_indices = @transform_3, window_bounds = array<i64: 1000, 16>}, {pipeline_mode = #tpu.pipeline_mode<synchronous>, transform_indices = @transform_4, window_bounds = array<i64: 1, 128>}, {transform_indices = @transform_5, window_bounds = array<i64: 1000, 128>}, {pipeline_mode = #tpu.pipeline_mode<synchronous>, transform_indices = @transform_6, window_bounds = array<i64: 128, 128>}, {pipeline_mode = #tpu.pipeline_mode<synchronous>, transform_indices = @transform_7, window_bounds = array<i64: 128, 128>}, {pipeline_mode = #tpu.pipeline_mode<synchronous>, transform_indices = @transform_8, window_bounds = array<i64: 1, 128>}, {transform_indices = @transform_9, window_bounds = array<i64: 1000, 128>}]} {
    %get3A = arith.constant 0 : index
    %get3A_0 = arith.constant 0 : index
    %get3A_1 = vector.load %arg6[%get3A, %get3A_0] : memref<1000x128xf32, #tpu.memory_space<vmem>>, vector<1000x128xf32>
    %jit3A = arith.constant -1.000000e+02 : f32
    %jit3A_2 = arith.constant 1.000000e+02 : f32
    %max3A = vector.broadcast %jit3A : f32 to vector<1000x128xf32>
    %max3A_3 = arith.maximumf %max3A, %get3A_1 : vector<1000x128xf32>
    %min3A = vector.broadcast %jit3A_2 : f32 to vector<1000x128xf32>
    %min3A_4 = arith.minimumf %min3A, %max3A_3 : vector<1000x128xf32>
    %get3A_5 = arith.constant 0 : index
    %get3A_6 = arith.constant 0 : index
    %get3A_7 = vector.load %arg4[%get3A_5, %get3A_6] : memref<1000x16xf32, #tpu.memory_space<vmem>>, vector<1000x16xf32>
    %slice3A = vector.extract_strided_slice %get3A_7 {offsets = [0, 0], sizes = [1000, 1], strides = [1, 1]} : vector<1000x16xf32> to vector<1000x1xf32>
    %get3A_8 = arith.constant 0 : index
    %get3A_9 = arith.constant 0 : index
    %get3A_10 = vector.load %arg1[%get3A_8, %get3A_9] : memref<1000x128xf32, #tpu.memory_space<vmem>>, vector<1000x128xf32>
    %get3A_11 = arith.constant 0 : index
    %get3A_12 = arith.constant 0 : index
    %get3A_13 = vector.load %arg2[%get3A_11, %get3A_12] : memref<1000x128xf32, #tpu.memory_space<vmem>>, vector<1000x128xf32>
    %add3A = arith.addf %get3A_10, %get3A_13 : vector<1000x128xf32>
    %get3A_14 = arith.constant 0 : index
    %get3A_15 = arith.constant 0 : index
    %get3A_16 = vector.load %arg3[%get3A_14, %get3A_15] : memref<1000x128xf32, #tpu.memory_space<vmem>>, vector<1000x128xf32>
    %add3A_17 = arith.addf %add3A, %get3A_16 : vector<1000x128xf32>
    %mul3A = vector.broadcast %slice3A : vector<1000x1xf32> to vector<1000x128xf32>
    %mul3A_18 = arith.mulf %mul3A, %add3A_17 : vector<1000x128xf32>
    %get3A_19 = arith.constant 0 : index
    %get3A_20 = arith.constant 0 : index
    %get3A_21 = vector.load %arg5[%get3A_19, %get3A_20] : memref<1x128xf32, #tpu.memory_space<vmem>>, vector<1x128xf32>
    %add3A_22 = vector.broadcast %get3A_21 : vector<1x128xf32> to vector<1000x128xf32>
    %add3A_23 = arith.addf %mul3A_18, %add3A_22 : vector<1000x128xf32>
    %max3A_24 = arith.constant 0.000000e+00 : f32
    %max3A_25 = vector.broadcast %max3A_24 : f32 to vector<1000x128xf32>
    %max3A_26 = arith.maximumf %add3A_23, %max3A_25 : vector<1000x128xf32>
    %add3A_27 = arith.addf %max3A_26, %min3A_4 : vector<1000x128xf32>
    %get3A_28 = arith.constant 0 : index
    %get3A_29 = arith.constant 0 : index
    %get3A_30 = vector.load %arg7[%get3A_28, %get3A_29] : memref<128x128xf32, #tpu.memory_space<vmem>>, vector<128x128xf32>
    %dot_general3A = arith.constant dense<0.000000e+00> : vector<1000x128xf32>
    %dot_general3A_31 = tpu.matmul %add3A_27, %get3A_30, %dot_general3A {dimension_numbers = #tpu.dot_dimension_numbers<[1], [0], [0], [1], [0, 0, 1, 1], [], []>, transpose_lhs_hint = false} : vector<1000x128xf32>, vector<128x128xf32>, vector<1000x128xf32> -> vector<1000x128xf32>
    %get3A_32 = arith.constant 0 : index
    %get3A_33 = arith.constant 0 : index
    %get3A_34 = vector.load %arg8[%get3A_32, %get3A_33] : memref<128x128xf32, #tpu.memory_space<vmem>>, vector<128x128xf32>
    %dot_general3A_35 = arith.constant dense<0.000000e+00> : vector<1000x128xf32>
    %dot_general3A_36 = tpu.matmul %min3A_4, %get3A_34, %dot_general3A_35 {dimension_numbers = #tpu.dot_dimension_numbers<[1], [0], [0], [1], [0, 0, 1, 1], [], []>, transpose_lhs_hint = false} : vector<1000x128xf32>, vector<128x128xf32>, vector<1000x128xf32> -> vector<1000x128xf32>
    %add3A_37 = arith.addf %dot_general3A_31, %dot_general3A_36 : vector<1000x128xf32>
    %get3A_38 = arith.constant 0 : index
    %get3A_39 = arith.constant 0 : index
    %get3A_40 = vector.load %arg9[%get3A_38, %get3A_39] : memref<1x128xf32, #tpu.memory_space<vmem>>, vector<1x128xf32>
    %add3A_41 = vector.broadcast %get3A_40 : vector<1x128xf32> to vector<1000x128xf32>
    %add3A_42 = arith.addf %add3A_37, %add3A_41 : vector<1000x128xf32>
    %logistic3A = arith.negf %add3A_42 : vector<1000x128xf32>
    %logistic3A_43 = math.exp %logistic3A : vector<1000x128xf32>
    %logistic3A_44 = arith.constant 1.000000e+00 : f32
    %logistic3A_45 = vector.broadcast %logistic3A_44 : f32 to vector<1000x128xf32>
    %logistic3A_46 = arith.addf %logistic3A_45, %logistic3A_43 : vector<1000x128xf32>
    %logistic3A_47 = arith.divf %logistic3A_45, %logistic3A_46 : vector<1000x128xf32>
    %mul3A_48 = arith.mulf %logistic3A_47, %add3A_27 : vector<1000x128xf32>
    %sub3A = arith.constant 1.000000e+00 : f32
    %sub3A_49 = vector.broadcast %sub3A : f32 to vector<1000x128xf32>
    %sub3A_50 = arith.subf %sub3A_49, %logistic3A_47 : vector<1000x128xf32>
    %mul3A_51 = arith.mulf %sub3A_50, %min3A_4 : vector<1000x128xf32>
    %add3A_52 = arith.addf %mul3A_48, %mul3A_51 : vector<1000x128xf32>
    %swap3A = arith.constant 0 : index
    %swap3A_53 = arith.constant 0 : index
    %swap3A_54 = vector.load %arg10[%swap3A, %swap3A_53] : memref<1000x128xf32, #tpu.memory_space<vmem>>, vector<1000x128xf32>
    tpu.vector_store %arg10[%swap3A, %swap3A_53], %add3A_52 {strides = array<i32>} : memref<1000x128xf32, #tpu.memory_space<vmem>>, vector<1000x128xf32>,
    return
  }
  func.func @transform_0(%arg0: i32) -> (i32, i32) {
    %c0_i32 = arith.constant 0 : i32
    %c0_i32_0 = arith.constant 0 : i32
    return %arg0, %c0_i32 : i32, i32
  }
  func.func @transform_1(%arg0: i32) -> (i32, i32) {
    %c0_i32 = arith.constant 0 : i32
    %c0_i32_0 = arith.constant 0 : i32
    return %arg0, %c0_i32 : i32, i32
  }
  func.func @transform_2(%arg0: i32) -> (i32, i32) {
    %c0_i32 = arith.constant 0 : i32
    %c0_i32_0 = arith.constant 0 : i32
    return %arg0, %c0_i32 : i32, i32
  }
  func.func @transform_3(%arg0: i32) -> (i32, i32) {
    %c0_i32 = arith.constant 0 : i32
    %c0_i32_0 = arith.constant 0 : i32
    return %arg0, %c0_i32 : i32, i32
  }
  func.func @transform_4(%arg0: i32) -> (i32, i32) {
    %c0_i32 = arith.constant 0 : i32
    %c0_i32_0 = arith.constant 0 : i32
    %c0_i32_1 = arith.constant 0 : i32
    return %c0_i32, %c0_i32_0 : i32, i32
  }
  func.func @transform_5(%arg0: i32) -> (i32, i32) {
    %c0_i32 = arith.constant 0 : i32
    %c0_i32_0 = arith.constant 0 : i32
    return %arg0, %c0_i32 : i32, i32
  }
  func.func @transform_6(%arg0: i32) -> (i32, i32) {
    %c0_i32 = arith.constant 0 : i32
    %c0_i32_0 = arith.constant 0 : i32
    %c0_i32_1 = arith.constant 0 : i32
    return %c0_i32, %c0_i32_0 : i32, i32
  }
  func.func @transform_7(%arg0: i32) -> (i32, i32) {
    %c0_i32 = arith.constant 0 : i32
    %c0_i32_0 = arith.constant 0 : i32
    %c0_i32_1 = arith.constant 0 : i32
    return %c0_i32, %c0_i32_0 : i32, i32
  }
  func.func @transform_8(%arg0: i32) -> (i32, i32) {
    %c0_i32 = arith.constant 0 : i32
    %c0_i32_0 = arith.constant 0 : i32
    %c0_i32_1 = arith.constant 0 : i32
    return %c0_i32, %c0_i32_0 : i32, i32
  }
  func.func @transform_9(%arg0: i32) -> (i32, i32) {
    %c0_i32 = arith.constant 0 : i32
    %c0_i32_0 = arith.constant 0 : i32
    return %arg0, %c0_i32 : i32, i32
  }
}

</mosaic_0001>

<sc_bundles>
// kernel: kernel.11.cloned.1.call-start
scs
__scs_entry_jumppad:
0x0: {  	(pc) =	sbr.rel $0x88, $3  }
0x1: {  	(tag) =	ssettag $0x0;
	lr =	simm.s32 $0x1  }
0x2: {  	[smem:$0x3F99] =	sst lr;
	_ =	strace $0xD0000000  }
0x3: {  	_ = 	snop  }
0x4: {  	_ = 	snop  }
0x5: {  	_ = 	snop  }
0x6: {  	_ = 	snop  }
0x7: {  	_ = 	snop  }
__scs_overlays_trampoline_lowered:
0x8: {  	[smem:$0x3FA8] =	sst s0  }
0x9: {  	[smem:$0x3FA9] =	sst s1  }
0xa: {  	[smem:$0x3FAA] =	sst s2  }
0xb: {  	[smem:$0x3FAB] =	sst s3  }
0xc: {  	[smem:$0x3FAC] =	sst s4  }
0xd: {  	[smem:$0x3FAD] =	sst s5  }
0xe: {  	[smem:$0x3FAE] =	sst s6  }
0xf: {  	[smem:$0x3FAF] =	sst s7  }
0x10: {  	[smem:$0x3FB0] =	sst s8  }
0x11: {  	[smem:$0x3FB1] =	sst s9;
	s0 =	simm.s32 @!p0 $0x0  }
0x12: {  	s1 =	sld [smem:$0x3F97];
	s0 =	simm.s32 @p0 $0x1  }
0x13: {  	[smem:$0x3FB2] =	sst s0;
	s0 =	simm.s32 @!p1 $0x0  }
0x14: {  	s2 =	sld [smem:$0x3F96];
	s0 =	simm.s32 @p1 $0x1  }
0x15: {  	[smem:$0x3FB3] =	sst s0;
	s0 =	simm.s32 @!p2 $0x0  }
0x16: {  	s3 =	sld [smem:$0x3FDB];
	s0 =	simm.s32 @p2 $0x1  }
0x17: {  	s4 =	simm.s32 $0x1BF5;
	[smem:$0x3FB5] =	sst s0  }
0x18: {  	s0 =	sld [smem:$0x3F98];
	_ =	swait.ge [sflag:s4], $0x0  }
0x19: {  	s7 =	sld [smem:$0x3F99]  }
0x1a: {  	s8 =	sadd.s32 $0xFFFFE003, lr  }
0x1b: {  	s9 =	sadd.s32 $0xFFFFFEF7, lr;
	s5 =	simm.s32 $0xFFFFFFFF;
	p2 =	slt.u32 s8, $0xFFFFF086  }
0x1c: {  	p1 =	slt.u32 s9, $0xF7A;
	s5 =	simm.s32 @!p2 $0x0  }
0x1d: {  	s5 =	simm.s32 @p1 $0x1;
	p0 =	seq.s32 s7, s2  }
0x1e: {  	s7 =	smul.u32 @!p0 $0xF7A, s2;
	p2 =	seq.s32 @!p0 s5, $0x0  }
0x1f: {  	s9 =	smul.u32 $0xF7A, s1;
	s8 =	simm.s32 @!p0 $0x1BF5;
	p2 =	por !p2, p0  }
0x20: {  	[sflag:s8] =	ssyncset.s32 @!p0 $0xFFFFF086;
	s6 =	sadd.s32 @!p0 s3, s7;
	s7 =	simm.s32 @!p0 $0x108  }
0x21: {  	s3 =	sadd.s32 s3, s9;
	s6 =	sadd.s32 @!p0 $0x88, s6;
	s7 =	simm.s32 @p2 $0x1082  }
0x22: {  	[simem:s7], [sflag:s8] =	dma.local @!p0 [hbm:s6], $0xF7A  }
0x23: {  	s9 =	sor.u32 $0xD0000000, s2;
	s6 =	simm.s32 $0x108;
	_ =	swait.ge @!p0 [sflag:s8], $0x0  }
0x24: {  	s3 =	sadd.s32 $0x88, s3;
	s6 =	simm.s32 @!p1 $0x1082;
	[sflag:s4] =	ssyncset.s32 $0xFFFFF086  }
0x25: {  	[simem:s6], [sflag:s4] =	dma.local [hbm:s3], $0xF7A  }
0x26: {  	[smem:$0x3F99] =	sst s1;
	(tag) =	ssettag s2;
	_ =	strace s9  }
0x27: {  	s1 =	sld [smem:$0x3FA9]  }
0x28: {  	s2 =	sld [smem:$0x3FAA]  }
0x29: {  	s4 =	sld [smem:$0x3FAC]  }
0x2a: {  	p0 =	seq.s32 s5, $0x0;
	s5 =	sld [smem:$0x3FAD]  }
0x2b: {  	s6 =	sld [smem:$0x3FAE]  }
0x2c: {  	s7 =	sld [smem:$0x3FAF]  }
0x2d: {  	s3 =	simm.s32 $0x108;
	s8 =	sld [smem:$0x3FB0]  }
0x2e: {  	s3 =	simm.s32 @!p0 $0x1082;
	s9 =	sld [smem:$0x3FB1]  }
0x2f: {  	lr =	sadd.s32 s0, s3;
	s0 =	sld [smem:$0x3FA8]  }
0x30: {  	s3 =	sld [smem:$0x3FAB]  }
0x31: {  	[smem:$0x3FB4] =	sst s10  }
0x32: {  	s10 =	sld [smem:$0x3FB2];
	_ =	sdelay $0x3  }
0x33: {  	p0 =	seq.s32 s10, $0x1;
	s10 =	sld [smem:$0x3FB4];
	_ =	sdelay $0x3  }
0x34: {  	[smem:$0x3FB4] =	sst s10  }
0x35: {  	s10 =	sld [smem:$0x3FB3];
	_ =	sdelay $0x3  }
0x36: {  	p1 =	seq.s32 s10, $0x1;
	s10 =	sld [smem:$0x3FB4];
	_ =	sdelay $0x3  }
0x37: {  	[smem:$0x3FB4] =	sst s10  }
0x38: {  	s10 =	sld [smem:$0x3FB5]  }
0x39: {  	_ = 	snop;
	(pc) =	sbr.ind lr, $3  }
0x3a: {  	_ = 	snop  }
0x3b: {  	_ = 	snop  }
0x3c: {  	p2 =	seq.s32 s10, $0x1;
	s10 =	sld [smem:$0x3FB4]  }
0x3d: {  	_ =	shalt  }
0x3e: {  	_ =	shalt  }
0x3f: {  	_ =	shalt  }
0x40: {  	_ =	shalt  }
0x41: {  	_ =	shalt  }
0x42: {  	_ =	shalt  }
0x43: {  	_ =	shalt  }
0x44: {  	_ =	shalt  }
0x45: {  	_ =	shalt  }
0x46: {  	_ =	shalt  }
0x47: {  	_ =	shalt  }
0x48: {  	_ =	shalt  }
0x49: {  	_ =	shalt  }
0x4a: {  	_ =	shalt  }
0x4b: {  	_ =	shalt  }
0x4c: {  	_ =	shalt  }
0x4d: {  	_ =	shalt  }
0x4e: {  	_ =	shalt  }
0x4f: {  	_ =	shalt  }
0x50: {  	_ =	shalt  }
0x51: {  	_ =	shalt  }
0x52: {  	_ =	shalt  }
0x53: {  	_ =	shalt  }
0x54: {  	_ =	shalt  }
0x55: {  	_ =	shalt  }
0x56: {  	_ =	shalt  }
0x57: {  	_ =	shalt  }
0x58: {  	_ =	shalt  }
0x59: {  	_ =	shalt  }
0x5a: {  	_ =	shalt  }
0x5b: {  	_ =	shalt  }
0x5c: {  	_ =	shalt  }
0x5d: {  	_ =	shalt  }
0x5e: {  	_ =	shalt  }
0x5f: {  	_ =	shalt  }
0x60: {  	_ =	shalt  }
0x61: {  	_ =	shalt  }
0x62: {  	_ =	shalt  }
0x63: {  	_ =	shalt  }
0x64: {  	_ =	shalt  }
0x65: {  	_ =	shalt  }
0x66: {  	_ =	shalt  }
0x67: {  	_ =	shalt  }
0x68: {  	_ =	shalt  }
0x69: {  	_ =	shalt  }
0x6a: {  	_ =	shalt  }
0x6b: {  	_ =	shalt  }
0x6c: {  	_ =	shalt  }
0x6d: {  	_ =	shalt  }
0x6e: {  	_ =	shalt  }
0x6f: {  	_ =	shalt  }
0x70: {  	_ =	shalt  }
0x71: {  	_ =	shalt  }
0x72: {  	_ =	shalt  }
0x73: {  	_ =	shalt  }
0x74: {  	_ =	shalt  }
0x75: {  	_ =	shalt  }
0x76: {  	_ =	shalt  }
0x77: {  	_ =	shalt  }
0x78: {  	_ =	shalt  }
0x79: {  	_ =	shalt  }
0x7a: {  	_ =	shalt  }
0x7b: {  	_ =	shalt  }
0x7c: {  	_ =	shalt  }
0x7d: {  	_ =	shalt  }
0x7e: {  	_ =	shalt  }
0x7f: {  	_ =	shalt  }
0x80: {  	_ =	shalt  }
0x81: {  	_ =	shalt  }
0x82: {  	_ =	shalt  }
0x83: {  	_ =	shalt  }
0x84: {  	_ =	shalt  }
0x85: {  	_ =	shalt  }
0x86: {  	_ =	shalt  }
0x87: {  	_ =	shalt  }
.Lfunc_end0:
.L_simem_size_0:
called_computation.1_lowered:
.L_overlay_start_0:
0x88: {  	s2 =	sld [smem:$0x3FD9]  }
0x89: {  	s3 =	sld [smem:$0x3FFE];
	_ =	sdelay $0x1  }
0x8a: {  	s1 =	srdreg.scid  }
0x8b: {  	s0 =	sand.u32 $0x1, s1  }
0x8c: {  	s17 =	sshll.u32 s0, $0xA;
	s2 =	sadd.s32 s3, s2  }
0x8d: {  	s2 =	sadd.s32 s2, s17  }
0x8e: {  	[smem:$0x3FC0] =	sst s2  }
0x8f: {  	_ = 	snop  }
0x90: {  	s2 =	sld [smem:$0x3FD0];
	(tm) =	ssettm $0x1  }
0x91: {  	s18 =	sld [smem:$0x3FFB];
	_ =	sdelay $0x3  }
0x92: {  	_ =	strace s18  }
0x93: {  	s3 =	sld [smem:$0x3FFC];
	_ =	sdelay $0x3  }
0x94: {  	_ =	strace s3  }
0x95: {  	s3 =	sld [smem:$0x3FFD];
	_ =	sdelay $0x3  }
0x96: {  	_ =	strace s3  }
0x97: {  	_ =	strace $0x8FFFFFFF  }
0x98: {  	s19 =	sld [smem:$0x3FDB];
	_ =	sdelay $0x1  }
0x99: {  	s4 =	simm.s32 $_scs_section_size  }
0x9a: {  	s5 =	simm.s32 $_size__tile_overlayer_lowered;
	s6 =	simm.s32 $_tile_overlayer_lowered  }
0x9b: {  	s22 =	simm.s32 $0x1BFF;
	s21 =	sshll.u32 s6, $0x1;
	s3 =	sadd.s32 s4, s19  }
0x9c: {  	s7 =	simm.s32 $0x0;
	s20 =	sshll.u32 s5, $0x1;
	s5 =	sadd.s32 s21, s3  }
0x9d: {  	[timem:s7], [sflag:s22] =	dma.local [hbm:s5], s20  }
0x9e: {  	_ =	swait.ge [sflag:s22], s20  }
0x9f: {  	s4 =	ssub.s32 $0x0, s20;
	[sflag:s22] =	ssyncset.done $0x0  }
0xa0: {  	[sflag:s22] =	ssyncadd.s32 s4;
	_ =	sdelay $0x1  }
0xa1: {  	s23 =	simm.s32 $0x1B8B  }
0xa2: {  	_ =	swait.ge [sflag:s23], $0x1  }
0xa3: {  	[sflag:s23] =	ssyncset.done $0x0  }
0xa4: {  	s25 =	simm.s32 $0x1B8E;
	s24 =	sld [smem:$0x3FFE];
	[sflag:s23] =	ssyncadd.s32 $0xFFFFFFFF  }
0xa5: {  	s26 =	simm.s32 $execute0_lowered;
	[smem:$0x3FD2] =	sst s25  }
0xa6: {  	s5 =	sshll.u32 s26, $0x1;
	_ =	strace $0x80000049;
	[dreg:$0x1] =	wrdreg $0xFFFFFFFF  }
0xa7: {  	s28 =	simm.s32 $_size_execute0_lowered;
	s3 =	sadd.s32 s3, s5;
	[dreg:$0x0] =	wrdreg $0x0  }
0xa8: {  	s5 =	sshll.u32 s28, $0x1;
	[dreg:$0x2] =	wrdreg s3  }
0xa9: {  	[dreg:$0x3] =	wrdreg s5  }
0xaa: {  	[dreg:$0x4] =	wrdreg $0xC0  }
0xab: {  	_ =	task [dreg:s7], $0x5FFFF  }
0xac: {  	[dreg:$0x1] =	wrdreg $0xFFFFFFFF  }
0xad: {  	[dreg:$0x0] =	wrdreg $0x60  }
0xae: {  	[dreg:$0x2] =	wrdreg s2  }
0xaf: {  	[dreg:$0x3] =	wrdreg s24  }
0xb0: {  	[dreg:$0x4] =	wrdreg $0x0  }
0xb1: {  	[dreg:$0x5] =	wrdreg $0x9  }
0xb2: {  	_ =	task.clear_ibuf [dreg:s7], $0x6FFFF;
	_ =	strace $0x90000049  }
0xb3: {  	s29 =	simm.s32 $0x9;
	_ =	strace $0x8000004B  }
0xb4: {  	_ =	swait.ge [sflag:s29], $0x1  }
0xb5: {  	[sflag:s29] =	ssyncadd.s32 $0xFFFFFFFF  }
0xb6: {  	_ =	strace $0x9000004B  }
0xb7: {  	_ =	sfence  }
0xb8: {  	s30 =	sld [smem:$0x0];
	_ =	sdelay $0x2  }
0xb9: {  	s31 =	sshll.u32 s1, $0xD;
	s1 =	sshrl.u32 s1, $0x2  }
0xba: {  	s3 =	sand.u32 $0x4000, s31;
	s1 =	sadd.s32 s1, s30  }
0xbb: {  	s0 =	sor.u32 s3, s0;
	s1 =	sshll.u32 s1, $0x11  }
0xbc: {  	s0 =	sor.u32 s1, s0  }
0xbd: {  	s0 =	sadd.s32 $0x8F2B, s0  }
0xbe: {  	[sflag:s0] =	ssyncadd.remote.s32 $0x1  }
0xbf: {  	_ =	sfence.sel $0xFFFF  }
0xc0: {  	[dreg:$0x0] =	wrdreg $0xFFFFFFFF;
	(pc) =	sbr.abs _section_cstart, $3  }
0xc1: {  	[dreg:$0x1] =	wrdreg $0xFFFFFFFF  }
0xc2: {  	_ =	task.clear_ibuf [dreg:s7], $0x2FFFF;
	_ =	strace $0x9FFFFFFF  }
0xc3: {  	(tm) =	ssettm $0x7FFFFFFF  }
tec
execute0_lowered:
.L_overlay_start_1:
0x0: {  	(tag) =	ssettag $0x1  }
0x1: {  	s1 =	rddreg [dreg:$0x0]  }
0x2: {  	s2 =	srdreg.scid;
	s5 =	rddreg [dreg:$0x1]  }
0x3: {  	s0 =	stileid.u32;
	s3 =	rddreg [dreg:$0x2]  }
0x4: {  	s4 =	simm.s32 $0x0;
	s15 =	simm.s32 $0x19C00;
	s16 =	simm.s32 $0x1  }
0x5: {  	s17 =	simm.s32 $0x0;
	s9 =	sand.u32 $0x1, s2;
	s7 =	smul.u32 $0x2780, s0  }
0x6: {  	s26 =	sshll.u32 s0, $0x1;
	[smem:$0x7FF] =	sst s4;
	s28 =	smul.u32 $0x4F000, s0  }
0x7: {  	s31 =	sshll.u32 s0, $0x6;
	s2 =	sor.u32 s9, s26;
	s8 =	smul.u32 $0x27800, s9  }
0x8: {  	s29 =	ssub.s32 $0x2, s9;
	p0 =	seq.s32 s9, $0x0;
	s9 =	simm.s32 $0x5C  }
0x9: {  	s6 =	smul.u32 $0x600, s2;
	s2 =	rddreg [dreg:$0x3];
	_ =	strace $0x8000004A  }
0xa: {  	s11 =	sadd.s32 s7, s5;
	s30 =	sshrl.u32 s29, $0x1;
	s9 =	simm.s32 @!p0 $0x41  }
0xb: {  	s7 =	sadd.s32 s7, s8;
	s13 =	ssub.s32 s29, s30;
	s10 =	sadd.s32 s6, s5  }
0xc: {  	s12 =	sadd.s32 s7, s5;
	s6 =	sshrl.u32 s28, $0x2;
	s5 =	sadd.s32 $0x3800, s11  }
0xd: {  	s11 =	smax.u32 s13, $0x1;
	s13 =	simm.s32 $0x2;
	s14 =	sadd.s32 s6, s3  }
0xe: {  	s6 =	sor.u32 $0x1C02, s31;
	s7 =	sadd.s32 $0x86800, s10;
	s8 =	sadd.s32 $0x7A800, s10  }
0xf: {  	s10 =	sadd.s32 $0x92800, s12;
	s12 =	sshrl.u32 s14, $0x3;
	s14 =	simm.s32 $0x80  }
.LBB2_1:
0x10: {  	[spmem:s12], [sflag:s6] =	dma.local [hbm:s5], $0x2780  }
0x11: {  	_ =	swait.ge [sflag:s13], $0x2780  }
0x12: {  	[sflag:s13] =	ssyncset.done $0x0  }
0x13: {  	s18 =	simm.s32 $0x13C00;
	[sflag:s13] =	ssyncadd.s32 $0xFFFFD880  }
0x14: {  	[tilespmem:s18], [sflag:$0x2] =	stream.linear.gather [hbm4b:s7+s4], $0x2E00, $0x38;
	[tilespmem:$0x1DC00] =	vst v63  }
0x15: {  	_ =	swait.ge [sflag:s13], $0x2E00  }
0x16: {  	[sflag:s13] =	ssyncset.done $0x0  }
0x17: {  	s19 =	simm.s32 $0x16C00;
	[sflag:s13] =	ssyncadd.s32 $0xFFFFD200  }
0x18: {  	[tilespmem:s19], [sflag:$0x2] =	stream.linear.gather [hbm4b:s8+s4], $0x2E00, $0x38;
	[tilespmem:$0x1DC00] =	vst v63  }
0x19: {  	_ =	swait.ge [sflag:s13], $0x2E00  }
0x1a: {  	[sflag:s13] =	ssyncset.done $0x0  }
0x1b: {  	[sflag:s13] =	ssyncadd.s32 $0xFFFFD200  }
0x1c: {  	[bflag:$0x0] =	sbarrier.arrive $0xFFFF  }
0x1d: {  	[tilespmem:s15], [sflag:$0x1] =	stream.indirect.gather [hbm4b:s1+s14], $0x80, s18, s14, $0xb8;
	[tilespmem:$0x1DC00] =	vst v63  }
0x1e: {  	p0 =	sne.s32 s9, $0x1;
	_ =	swait.ge [sflag:s16], $0x4000  }
.Ltmp0:
0x1f: {  	[sflag:s16] =	ssyncset.done $0x0;
	(pc) =	sbr.rel @!p0 .LBB2_3-.Ltmp0, $4  }
0x20: {  	[sflag:s16] =	ssyncadd.s32 $0xFFFFC000  }
0x21: {  	[spmem:s3] =	stream.indirect.scatter.add.f32 [tilespmem:s15], [sflag:$0x2], $0x80, s19, s14, $0xb8;
	[tilespmem:$0x1DC00] =	vst v63  }
0x22: {  	_ =	swait.ge [sflag:s13], $0x4000  }
0x23: {  	s20 =	sadd.s32 $0xFFFFFFFF, s9;
	[sflag:s13] =	ssyncset.done $0x0  }
.LBB2_2:
0x24: {  	[sflag:s13] =	ssyncadd.s32 $0xFFFFC000;
	s18 =	sadd.s32 $0x80, s18;
	s19 =	sadd.s32 $0x80, s19  }
0x25: {  	[tilespmem:s15], [sflag:$0x1] =	stream.indirect.gather [hbm4b:s1+s14], $0x80, s18, s14, $0xb8;
	[tilespmem:$0x1DC00] =	vst v63  }
0x26: {  	p0 =	sne.s32 s20, $0x1;
	s20 =	sadd.s32 $0xFFFFFFFF, s20;
	_ =	swait.ge [sflag:s16], $0x4000  }
.Ltmp1:
0x27: {  	[sflag:s16] =	ssyncset.done $0x0;
	(pc) =	sbr.rel @p0 .LBB2_2-.Ltmp1, $4  }
0x28: {  	[sflag:s16] =	ssyncadd.s32 $0xFFFFC000  }
0x29: {  	[spmem:s3] =	stream.indirect.scatter.add.f32 [tilespmem:s15], [sflag:$0x2], $0x80, s19, s14, $0xb8;
	[tilespmem:$0x1DC00] =	vst v63  }
0x2a: {  	_ =	swait.ge [sflag:s13], $0x4000  }
0x2b: {  	[sflag:s13] =	ssyncset.done $0x0  }
.LBB2_3:
0x2c: {  	s17 =	sadd.s32 $0x1, s17  }
0x2d: {  	[sflag:s13] =	ssyncadd.s32 $0xFFFFC000;
	p0 =	sne.s32 s17, s11  }
.Ltmp2:
0x2e: {  	[bflag:$0x0] =	sbarrier.arrive $0xFFFF;
	(pc) =	sbr.rel @p0 .LBB2_1-.Ltmp2, $4  }
0x2f: {  	[hbm:s10], [sflag:s6] =	dma.local [spmem:s12], $0x2780  }
0x30: {  	_ =	swait.ge [sflag:s13], $0x2780  }
0x31: {  	[sflag:s13] =	ssyncset.done $0x0  }
0x32: {  	[sflag:s13] =	ssyncadd.s32 $0xFFFFD880  }
0x33: {  	_ =	sfence.sel $0x180000  }
0x34: {  	[bflag:$0x0] =	sbarrier.arrive $0xFFFF  }
0x35: {  	p0 =	sne.s32 s0, $0x0;
	_ =	strace $0x9000004A  }
0x36: {  	s0 =	sadd.s32 @!p0 $0x100000, s2;
	[bflag:$0x2] =	sbarrier.arrive $0xFFFF  }
0x37: {  	[sflag:s0] =	ssyncadd.tile.s32 @!p0 $0x1;
	_ =	shalt  }
.Lfunc_end2:
_tile_overlayer_lowered:
.L_overlay_start_2:
0x38: {  	(tag) =	ssettag $0x2  }
0x39: {  	s0 =	rddreg [dreg:$0x0];
	s2 =	stileid.u32  }
0x3a: {  	s1 =	rddreg [dreg:$0x1];
	p0 =	sne.s32 s2, $0x0  }
0x3b: {  	s3 =	rddreg [dreg:$0x2];
	[bflag:$0x3] =	sbarrier.arrive $0xFFFF;
	s2 =	simm.s32 @!p0 $0x1C02  }
0x3c: {  	[timem:s3], [sflag:s2] =	dma.local @!p0 [hbm:s0], s1  }
0x3d: {  	s0 =	simm.s32 @!p0 $0x2  }
0x3e: {  	_ =	swait.ge @!p0 [sflag:s0], s1  }
0x3f: {  	s1 =	ssub.s32 @!p0 $0x0, s1;
	[sflag:s0] =	ssyncset.done @!p0 $0x0  }
0x40: {  	[sflag:s0] =	ssyncadd.s32 @!p0 s1  }
0x41: {  	[bflag:$0x3] =	sbarrier.arrive $0xFFFF  }
0x42: {  	_ =	shalt  }

// kernel: kernel.14.cloned.1.call-start
scs
__scs_entry_jumppad:
0x0: {  	(pc) =	sbr.rel $0x88, $3  }
0x1: {  	(tag) =	ssettag $0x0;
	lr =	simm.s32 $0x1  }
0x2: {  	[smem:$0x3F99] =	sst lr;
	_ =	strace $0xD0000000  }
0x3: {  	_ = 	snop  }
0x4: {  	_ = 	snop  }
0x5: {  	_ = 	snop  }
0x6: {  	_ = 	snop  }
0x7: {  	_ = 	snop  }
__scs_overlays_trampoline_lowered:
0x8: {  	[smem:$0x3FA8] =	sst s0  }
0x9: {  	[smem:$0x3FA9] =	sst s1  }
0xa: {  	[smem:$0x3FAA] =	sst s2  }
0xb: {  	[smem:$0x3FAB] =	sst s3  }
0xc: {  	[smem:$0x3FAC] =	sst s4  }
0xd: {  	[smem:$0x3FAD] =	sst s5  }
0xe: {  	[smem:$0x3FAE] =	sst s6  }
0xf: {  	[smem:$0x3FAF] =	sst s7  }
0x10: {  	[smem:$0x3FB0] =	sst s8  }
0x11: {  	[smem:$0x3FB1] =	sst s9;
	s0 =	simm.s32 @!p0 $0x0  }
0x12: {  	s1 =	sld [smem:$0x3F97];
	s0 =	simm.s32 @p0 $0x1  }
0x13: {  	[smem:$0x3FB2] =	sst s0;
	s0 =	simm.s32 @!p1 $0x0  }
0x14: {  	s2 =	sld [smem:$0x3F96];
	s0 =	simm.s32 @p1 $0x1  }
0x15: {  	[smem:$0x3FB3] =	sst s0;
	s0 =	simm.s32 @!p2 $0x0  }
0x16: {  	s3 =	sld [smem:$0x3FDB];
	s0 =	simm.s32 @p2 $0x1  }
0x17: {  	s4 =	simm.s32 $0x1BF5;
	[smem:$0x3FB5] =	sst s0  }
0x18: {  	s0 =	sld [smem:$0x3F98];
	_ =	swait.ge [sflag:s4], $0x0  }
0x19: {  	s7 =	sld [smem:$0x3F99]  }
0x1a: {  	s8 =	sadd.s32 $0xFFFFE003, lr  }
0x1b: {  	s9 =	sadd.s32 $0xFFFFFEF7, lr;
	s5 =	simm.s32 $0xFFFFFFFF;
	p2 =	slt.u32 s8, $0xFFFFF086  }
0x1c: {  	p1 =	slt.u32 s9, $0xF7A;
	s5 =	simm.s32 @!p2 $0x0  }
0x1d: {  	s5 =	simm.s32 @p1 $0x1;
	p0 =	seq.s32 s7, s2  }
0x1e: {  	s7 =	smul.u32 @!p0 $0xF7A, s2;
	p2 =	seq.s32 @!p0 s5, $0x0  }
0x1f: {  	s9 =	smul.u32 $0xF7A, s1;
	s8 =	simm.s32 @!p0 $0x1BF5;
	p2 =	por !p2, p0  }
0x20: {  	[sflag:s8] =	ssyncset.s32 @!p0 $0xFFFFF086;
	s6 =	sadd.s32 @!p0 s3, s7;
	s7 =	simm.s32 @!p0 $0x108  }
0x21: {  	s3 =	sadd.s32 s3, s9;
	s6 =	sadd.s32 @!p0 $0x88, s6;
	s7 =	simm.s32 @p2 $0x1082  }
0x22: {  	[simem:s7], [sflag:s8] =	dma.local @!p0 [hbm:s6], $0xF7A  }
0x23: {  	s9 =	sor.u32 $0xD0000000, s2;
	s6 =	simm.s32 $0x108;
	_ =	swait.ge @!p0 [sflag:s8], $0x0  }
0x24: {  	s3 =	sadd.s32 $0x88, s3;
	s6 =	simm.s32 @!p1 $0x1082;
	[sflag:s4] =	ssyncset.s32 $0xFFFFF086  }
0x25: {  	[simem:s6], [sflag:s4] =	dma.local [hbm:s3], $0xF7A  }
0x26: {  	[smem:$0x3F99] =	sst s1;
	(tag) =	ssettag s2;
	_ =	strace s9  }
0x27: {  	s1 =	sld [smem:$0x3FA9]  }
0x28: {  	s2 =	sld [smem:$0x3FAA]  }
0x29: {  	s4 =	sld [smem:$0x3FAC]  }
0x2a: {  	p0 =	seq.s32 s5, $0x0;
	s5 =	sld [smem:$0x3FAD]  }
0x2b: {  	s6 =	sld [smem:$0x3FAE]  }
0x2c: {  	s7 =	sld [smem:$0x3FAF]  }
0x2d: {  	s3 =	simm.s32 $0x108;
	s8 =	sld [smem:$0x3FB0]  }
0x2e: {  	s3 =	simm.s32 @!p0 $0x1082;
	s9 =	sld [smem:$0x3FB1]  }
0x2f: {  	lr =	sadd.s32 s0, s3;
	s0 =	sld [smem:$0x3FA8]  }
0x30: {  	s3 =	sld [smem:$0x3FAB]  }
0x31: {  	[smem:$0x3FB4] =	sst s10  }
0x32: {  	s10 =	sld [smem:$0x3FB2];
	_ =	sdelay $0x3  }
0x33: {  	p0 =	seq.s32 s10, $0x1;
	s10 =	sld [smem:$0x3FB4];
	_ =	sdelay $0x3  }
0x34: {  	[smem:$0x3FB4] =	sst s10  }
0x35: {  	s10 =	sld [smem:$0x3FB3];
	_ =	sdelay $0x3  }
0x36: {  	p1 =	seq.s32 s10, $0x1;
	s10 =	sld [smem:$0x3FB4];
	_ =	sdelay $0x3  }
0x37: {  	[smem:$0x3FB4] =	sst s10  }
0x38: {  	s10 =	sld [smem:$0x3FB5]  }
0x39: {  	_ = 	snop;
	(pc) =	sbr.ind lr, $3  }
0x3a: {  	_ = 	snop  }
0x3b: {  	_ = 	snop  }
0x3c: {  	p2 =	seq.s32 s10, $0x1;
	s10 =	sld [smem:$0x3FB4]  }
0x3d: {  	_ =	shalt  }
0x3e: {  	_ =	shalt  }
0x3f: {  	_ =	shalt  }
0x40: {  	_ =	shalt  }
0x41: {  	_ =	shalt  }
0x42: {  	_ =	shalt  }
0x43: {  	_ =	shalt  }
0x44: {  	_ =	shalt  }
0x45: {  	_ =	shalt  }
0x46: {  	_ =	shalt  }
0x47: {  	_ =	shalt  }
0x48: {  	_ =	shalt  }
0x49: {  	_ =	shalt  }
0x4a: {  	_ =	shalt  }
0x4b: {  	_ =	shalt  }
0x4c: {  	_ =	shalt  }
0x4d: {  	_ =	shalt  }
0x4e: {  	_ =	shalt  }
0x4f: {  	_ =	shalt  }
0x50: {  	_ =	shalt  }
0x51: {  	_ =	shalt  }
0x52: {  	_ =	shalt  }
0x53: {  	_ =	shalt  }
0x54: {  	_ =	shalt  }
0x55: {  	_ =	shalt  }
0x56: {  	_ =	shalt  }
0x57: {  	_ =	shalt  }
0x58: {  	_ =	shalt  }
0x59: {  	_ =	shalt  }
0x5a: {  	_ =	shalt  }
0x5b: {  	_ =	shalt  }
0x5c: {  	_ =	shalt  }
0x5d: {  	_ =	shalt  }
0x5e: {  	_ =	shalt  }
0x5f: {  	_ =	shalt  }
0x60: {  	_ =	shalt  }
0x61: {  	_ =	shalt  }
0x62: {  	_ =	shalt  }
0x63: {  	_ =	shalt  }
0x64: {  	_ =	shalt  }
0x65: {  	_ =	shalt  }
0x66: {  	_ =	shalt  }
0x67: {  	_ =	shalt  }
0x68: {  	_ =	shalt  }
0x69: {  	_ =	shalt  }
0x6a: {  	_ =	shalt  }
0x6b: {  	_ =	shalt  }
0x6c: {  	_ =	shalt  }
0x6d: {  	_ =	shalt  }
0x6e: {  	_ =	shalt  }
0x6f: {  	_ =	shalt  }
0x70: {  	_ =	shalt  }
0x71: {  	_ =	shalt  }
0x72: {  	_ =	shalt  }
0x73: {  	_ =	shalt  }
0x74: {  	_ =	shalt  }
0x75: {  	_ =	shalt  }
0x76: {  	_ =	shalt  }
0x77: {  	_ =	shalt  }
0x78: {  	_ =	shalt  }
0x79: {  	_ =	shalt  }
0x7a: {  	_ =	shalt  }
0x7b: {  	_ =	shalt  }
0x7c: {  	_ =	shalt  }
0x7d: {  	_ =	shalt  }
0x7e: {  	_ =	shalt  }
0x7f: {  	_ =	shalt  }
0x80: {  	_ =	shalt  }
0x81: {  	_ =	shalt  }
0x82: {  	_ =	shalt  }
0x83: {  	_ =	shalt  }
0x84: {  	_ =	shalt  }
0x85: {  	_ =	shalt  }
0x86: {  	_ =	shalt  }
0x87: {  	_ =	shalt  }
.Lfunc_end0:
.L_simem_size_0:
called_computation.2_lowered:
.L_overlay_start_0:
0x88: {  	s2 =	sld [smem:$0x3FD9]  }
0x89: {  	s3 =	sld [smem:$0x3FFE];
	_ =	sdelay $0x1  }
0x8a: {  	s1 =	srdreg.scid  }
0x8b: {  	s0 =	sand.u32 $0x1, s1  }
0x8c: {  	s17 =	sshll.u32 s0, $0xA;
	s2 =	sadd.s32 s3, s2  }
0x8d: {  	s2 =	sadd.s32 s2, s17  }
0x8e: {  	[smem:$0x3FC0] =	sst s2  }
0x8f: {  	_ = 	snop  }
0x90: {  	s2 =	sld [smem:$0x3FD0];
	(tm) =	ssettm $0x1  }
0x91: {  	s18 =	sld [smem:$0x3FFB];
	_ =	sdelay $0x3  }
0x92: {  	_ =	strace s18  }
0x93: {  	s3 =	sld [smem:$0x3FFC];
	_ =	sdelay $0x3  }
0x94: {  	_ =	strace s3  }
0x95: {  	s3 =	sld [smem:$0x3FFD];
	_ =	sdelay $0x3  }
0x96: {  	_ =	strace s3  }
0x97: {  	_ =	strace $0x8FFFFFFF  }
0x98: {  	s19 =	sld [smem:$0x3FDB];
	_ =	sdelay $0x1  }
0x99: {  	s4 =	simm.s32 $_scs_section_size  }
0x9a: {  	s5 =	simm.s32 $_size__tile_overlayer_lowered;
	s6 =	simm.s32 $_tile_overlayer_lowered  }
0x9b: {  	s22 =	simm.s32 $0x1BFF;
	s21 =	sshll.u32 s6, $0x1;
	s3 =	sadd.s32 s4, s19  }
0x9c: {  	s7 =	simm.s32 $0x0;
	s20 =	sshll.u32 s5, $0x1;
	s5 =	sadd.s32 s21, s3  }
0x9d: {  	[timem:s7], [sflag:s22] =	dma.local [hbm:s5], s20  }
0x9e: {  	_ =	swait.ge [sflag:s22], s20  }
0x9f: {  	s4 =	ssub.s32 $0x0, s20;
	[sflag:s22] =	ssyncset.done $0x0  }
0xa0: {  	[sflag:s22] =	ssyncadd.s32 s4;
	_ =	sdelay $0x1  }
0xa1: {  	s23 =	simm.s32 $0x1B8B  }
0xa2: {  	_ =	swait.ge [sflag:s23], $0x1  }
0xa3: {  	[sflag:s23] =	ssyncset.done $0x0  }
0xa4: {  	s25 =	simm.s32 $0x1B8E;
	s24 =	sld [smem:$0x3FFE];
	[sflag:s23] =	ssyncadd.s32 $0xFFFFFFFF  }
0xa5: {  	s26 =	simm.s32 $execute0_lowered;
	[smem:$0x3FD2] =	sst s25  }
0xa6: {  	s5 =	sshll.u32 s26, $0x1;
	_ =	strace $0x8000004C;
	[dreg:$0x1] =	wrdreg $0xFFFFFFFF  }
0xa7: {  	s28 =	simm.s32 $_size_execute0_lowered;
	s3 =	sadd.s32 s3, s5;
	[dreg:$0x0] =	wrdreg $0x0  }
0xa8: {  	s5 =	sshll.u32 s28, $0x1;
	[dreg:$0x2] =	wrdreg s3  }
0xa9: {  	[dreg:$0x3] =	wrdreg s5  }
0xaa: {  	[dreg:$0x4] =	wrdreg $0xC0  }
0xab: {  	_ =	task [dreg:s7], $0x5FFFF  }
0xac: {  	[dreg:$0x1] =	wrdreg $0xFFFFFFFF  }
0xad: {  	[dreg:$0x0] =	wrdreg $0x60  }
0xae: {  	[dreg:$0x2] =	wrdreg s2  }
0xaf: {  	[dreg:$0x3] =	wrdreg s24  }
0xb0: {  	[dreg:$0x4] =	wrdreg $0x0  }
0xb1: {  	[dreg:$0x5] =	wrdreg $0x9  }
0xb2: {  	_ =	task.clear_ibuf [dreg:s7], $0x6FFFF;
	_ =	strace $0x9000004C  }
0xb3: {  	s29 =	simm.s32 $0x9;
	_ =	strace $0x8000004E  }
0xb4: {  	_ =	swait.ge [sflag:s29], $0x1  }
0xb5: {  	[sflag:s29] =	ssyncadd.s32 $0xFFFFFFFF  }
0xb6: {  	_ =	strace $0x9000004E  }
0xb7: {  	_ =	sfence  }
0xb8: {  	s30 =	sld [smem:$0x0];
	_ =	sdelay $0x2  }
0xb9: {  	s31 =	sshll.u32 s1, $0xD;
	s1 =	sshrl.u32 s1, $0x2  }
0xba: {  	s3 =	sand.u32 $0x4000, s31;
	s1 =	sadd.s32 s1, s30  }
0xbb: {  	s0 =	sor.u32 s3, s0;
	s1 =	sshll.u32 s1, $0x11  }
0xbc: {  	s0 =	sor.u32 s1, s0  }
0xbd: {  	s0 =	sadd.s32 $0x8F2B, s0  }
0xbe: {  	[sflag:s0] =	ssyncadd.remote.s32 $0x1  }
0xbf: {  	_ =	sfence.sel $0xFFFF  }
0xc0: {  	[dreg:$0x0] =	wrdreg $0xFFFFFFFF;
	(pc) =	sbr.abs _section_cstart, $3  }
0xc1: {  	[dreg:$0x1] =	wrdreg $0xFFFFFFFF  }
0xc2: {  	_ =	task.clear_ibuf [dreg:s7], $0x2FFFF;
	_ =	strace $0x9FFFFFFF  }
0xc3: {  	(tm) =	ssettm $0x7FFFFFFF  }
tec
execute0_lowered:
.L_overlay_start_1:
0x0: {  	(tag) =	ssettag $0x1  }
0x1: {  	s1 =	rddreg [dreg:$0x0]  }
0x2: {  	s2 =	srdreg.scid;
	s5 =	rddreg [dreg:$0x1]  }
0x3: {  	s0 =	stileid.u32;
	s3 =	rddreg [dreg:$0x2]  }
0x4: {  	s4 =	simm.s32 $0x0;
	s15 =	simm.s32 $0x19C00;
	s16 =	simm.s32 $0x1  }
0x5: {  	s17 =	simm.s32 $0x0;
	s9 =	sand.u32 $0x1, s2;
	s7 =	smul.u32 $0x2780, s0  }
0x6: {  	s26 =	sshll.u32 s0, $0x1;
	[smem:$0x7FF] =	sst s4;
	s28 =	smul.u32 $0x4F000, s0  }
0x7: {  	s31 =	sshll.u32 s0, $0x6;
	s2 =	sor.u32 s9, s26;
	s8 =	smul.u32 $0x27800, s9  }
0x8: {  	s29 =	ssub.s32 $0x2, s9;
	p0 =	seq.s32 s9, $0x0;
	s9 =	simm.s32 $0x5C  }
0x9: {  	s6 =	smul.u32 $0x600, s2;
	s2 =	rddreg [dreg:$0x3];
	_ =	strace $0x8000004D  }
0xa: {  	s11 =	sadd.s32 s7, s5;
	s30 =	sshrl.u32 s29, $0x1;
	s9 =	simm.s32 @!p0 $0x41  }
0xb: {  	s7 =	sadd.s32 s7, s8;
	s13 =	ssub.s32 s29, s30;
	s10 =	sadd.s32 s6, s5  }
0xc: {  	s12 =	sadd.s32 s7, s5;
	s6 =	sshrl.u32 s28, $0x2;
	s5 =	sadd.s32 $0x3800, s11  }
0xd: {  	s11 =	smax.u32 s13, $0x1;
	s13 =	simm.s32 $0x2;
	s14 =	sadd.s32 s6, s3  }
0xe: {  	s6 =	sor.u32 $0x1C02, s31;
	s7 =	sadd.s32 $0x86800, s10;
	s8 =	sadd.s32 $0x7A800, s10  }
0xf: {  	s10 =	sadd.s32 $0x92800, s12;
	s12 =	sshrl.u32 s14, $0x3;
	s14 =	simm.s32 $0x80  }
.LBB2_1:
0x10: {  	[spmem:s12], [sflag:s6] =	dma.local [hbm:s5], $0x2780  }
0x11: {  	_ =	swait.ge [sflag:s13], $0x2780  }
0x12: {  	[sflag:s13] =	ssyncset.done $0x0  }
0x13: {  	s18 =	simm.s32 $0x13C00;
	[sflag:s13] =	ssyncadd.s32 $0xFFFFD880  }
0x14: {  	[tilespmem:s18], [sflag:$0x2] =	stream.linear.gather [hbm4b:s7+s4], $0x2E00, $0x38;
	[tilespmem:$0x1DC00] =	vst v63  }
0x15: {  	_ =	swait.ge [sflag:s13], $0x2E00  }
0x16: {  	[sflag:s13] =	ssyncset.done $0x0  }
0x17: {  	s19 =	simm.s32 $0x16C00;
	[sflag:s13] =	ssyncadd.s32 $0xFFFFD200  }
0x18: {  	[tilespmem:s19], [sflag:$0x2] =	stream.linear.gather [hbm4b:s8+s4], $0x2E00, $0x38;
	[tilespmem:$0x1DC00] =	vst v63  }
0x19: {  	_ =	swait.ge [sflag:s13], $0x2E00  }
0x1a: {  	[sflag:s13] =	ssyncset.done $0x0  }
0x1b: {  	[sflag:s13] =	ssyncadd.s32 $0xFFFFD200  }
0x1c: {  	[bflag:$0x0] =	sbarrier.arrive $0xFFFF  }
0x1d: {  	[tilespmem:s15], [sflag:$0x1] =	stream.indirect.gather [hbm4b:s1+s14], $0x80, s18, s14, $0xb8;
	[tilespmem:$0x1DC00] =	vst v63  }
0x1e: {  	p0 =	sne.s32 s9, $0x1;
	_ =	swait.ge [sflag:s16], $0x4000  }
.Ltmp0:
0x1f: {  	[sflag:s16] =	ssyncset.done $0x0;
	(pc) =	sbr.rel @!p0 .LBB2_3-.Ltmp0, $4  }
0x20: {  	[sflag:s16] =	ssyncadd.s32 $0xFFFFC000  }
0x21: {  	[spmem:s3] =	stream.indirect.scatter.add.f32 [tilespmem:s15], [sflag:$0x2], $0x80, s19, s14, $0xb8;
	[tilespmem:$0x1DC00] =	vst v63  }
0x22: {  	_ =	swait.ge [sflag:s13], $0x4000  }
0x23: {  	s20 =	sadd.s32 $0xFFFFFFFF, s9;
	[sflag:s13] =	ssyncset.done $0x0  }
.LBB2_2:
0x24: {  	[sflag:s13] =	ssyncadd.s32 $0xFFFFC000;
	s18 =	sadd.s32 $0x80, s18;
	s19 =	sadd.s32 $0x80, s19  }
0x25: {  	[tilespmem:s15], [sflag:$0x1] =	stream.indirect.gather [hbm4b:s1+s14], $0x80, s18, s14, $0xb8;
	[tilespmem:$0x1DC00] =	vst v63  }
0x26: {  	p0 =	sne.s32 s20, $0x1;
	s20 =	sadd.s32 $0xFFFFFFFF, s20;
	_ =	swait.ge [sflag:s16], $0x4000  }
.Ltmp1:
0x27: {  	[sflag:s16] =	ssyncset.done $0x0;
	(pc) =	sbr.rel @p0 .LBB2_2-.Ltmp1, $4  }
0x28: {  	[sflag:s16] =	ssyncadd.s32 $0xFFFFC000  }
0x29: {  	[spmem:s3] =	stream.indirect.scatter.add.f32 [tilespmem:s15], [sflag:$0x2], $0x80, s19, s14, $0xb8;
	[tilespmem:$0x1DC00] =	vst v63  }
0x2a: {  	_ =	swait.ge [sflag:s13], $0x4000  }
0x2b: {  	[sflag:s13] =	ssyncset.done $0x0  }
.LBB2_3:
0x2c: {  	s17 =	sadd.s32 $0x1, s17  }
0x2d: {  	[sflag:s13] =	ssyncadd.s32 $0xFFFFC000;
	p0 =	sne.s32 s17, s11  }
.Ltmp2:
0x2e: {  	[bflag:$0x0] =	sbarrier.arrive $0xFFFF;
	(pc) =	sbr.rel @p0 .LBB2_1-.Ltmp2, $4  }
0x2f: {  	[hbm:s10], [sflag:s6] =	dma.local [spmem:s12], $0x2780  }
0x30: {  	_ =	swait.ge [sflag:s13], $0x2780  }
0x31: {  	[sflag:s13] =	ssyncset.done $0x0  }
0x32: {  	[sflag:s13] =	ssyncadd.s32 $0xFFFFD880  }
0x33: {  	_ =	sfence.sel $0x180000  }
0x34: {  	[bflag:$0x0] =	sbarrier.arrive $0xFFFF  }
0x35: {  	p0 =	sne.s32 s0, $0x0;
	_ =	strace $0x9000004D  }
0x36: {  	s0 =	sadd.s32 @!p0 $0x100000, s2;
	[bflag:$0x2] =	sbarrier.arrive $0xFFFF  }
0x37: {  	[sflag:s0] =	ssyncadd.tile.s32 @!p0 $0x1;
	_ =	shalt  }
.Lfunc_end2:
_tile_overlayer_lowered:
.L_overlay_start_2:
0x38: {  	(tag) =	ssettag $0x2  }
0x39: {  	s0 =	rddreg [dreg:$0x0];
	s2 =	stileid.u32  }
0x3a: {  	s1 =	rddreg [dreg:$0x1];
	p0 =	sne.s32 s2, $0x0  }
0x3b: {  	s3 =	rddreg [dreg:$0x2];
	[bflag:$0x3] =	sbarrier.arrive $0xFFFF;
	s2 =	simm.s32 @!p0 $0x1C02  }
0x3c: {  	[timem:s3], [sflag:s2] =	dma.local @!p0 [hbm:s0], s1  }
0x3d: {  	s0 =	simm.s32 @!p0 $0x2  }
0x3e: {  	_ =	swait.ge @!p0 [sflag:s0], s1  }
0x3f: {  	s1 =	ssub.s32 @!p0 $0x0, s1;
	[sflag:s0] =	ssyncset.done @!p0 $0x0  }
0x40: {  	[sflag:s0] =	ssyncadd.s32 @!p0 s1  }
0x41: {  	[bflag:$0x3] =	sbarrier.arrive $0xFFFF  }
0x42: {  	_ =	shalt  }

// kernel: kernel.8.cloned.1.call-start
scs
__scs_entry_jumppad:
0x0: {  	(pc) =	sbr.rel $0x88, $3  }
0x1: {  	(tag) =	ssettag $0x0;
	lr =	simm.s32 $0x1  }
0x2: {  	[smem:$0x3F99] =	sst lr;
	_ =	strace $0xD0000000  }
0x3: {  	_ = 	snop  }
0x4: {  	_ = 	snop  }
0x5: {  	_ = 	snop  }
0x6: {  	_ = 	snop  }
0x7: {  	_ = 	snop  }
__scs_overlays_trampoline_lowered:
0x8: {  	[smem:$0x3FA8] =	sst s0  }
0x9: {  	[smem:$0x3FA9] =	sst s1  }
0xa: {  	[smem:$0x3FAA] =	sst s2  }
0xb: {  	[smem:$0x3FAB] =	sst s3  }
0xc: {  	[smem:$0x3FAC] =	sst s4  }
0xd: {  	[smem:$0x3FAD] =	sst s5  }
0xe: {  	[smem:$0x3FAE] =	sst s6  }
0xf: {  	[smem:$0x3FAF] =	sst s7  }
0x10: {  	[smem:$0x3FB0] =	sst s8  }
0x11: {  	[smem:$0x3FB1] =	sst s9;
	s0 =	simm.s32 @!p0 $0x0  }
0x12: {  	s1 =	sld [smem:$0x3F97];
	s0 =	simm.s32 @p0 $0x1  }
0x13: {  	[smem:$0x3FB2] =	sst s0;
	s0 =	simm.s32 @!p1 $0x0  }
0x14: {  	s2 =	sld [smem:$0x3F96];
	s0 =	simm.s32 @p1 $0x1  }
0x15: {  	[smem:$0x3FB3] =	sst s0;
	s0 =	simm.s32 @!p2 $0x0  }
0x16: {  	s3 =	sld [smem:$0x3FDB];
	s0 =	simm.s32 @p2 $0x1  }
0x17: {  	s4 =	simm.s32 $0x1BF5;
	[smem:$0x3FB5] =	sst s0  }
0x18: {  	s0 =	sld [smem:$0x3F98];
	_ =	swait.ge [sflag:s4], $0x0  }
0x19: {  	s7 =	sld [smem:$0x3F99]  }
0x1a: {  	s8 =	sadd.s32 $0xFFFFE003, lr  }
0x1b: {  	s9 =	sadd.s32 $0xFFFFFEF7, lr;
	s5 =	simm.s32 $0xFFFFFFFF;
	p2 =	slt.u32 s8, $0xFFFFF086  }
0x1c: {  	p1 =	slt.u32 s9, $0xF7A;
	s5 =	simm.s32 @!p2 $0x0  }
0x1d: {  	s5 =	simm.s32 @p1 $0x1;
	p0 =	seq.s32 s7, s2  }
0x1e: {  	s7 =	smul.u32 @!p0 $0xF7A, s2;
	p2 =	seq.s32 @!p0 s5, $0x0  }
0x1f: {  	s9 =	smul.u32 $0xF7A, s1;
	s8 =	simm.s32 @!p0 $0x1BF5;
	p2 =	por !p2, p0  }
0x20: {  	[sflag:s8] =	ssyncset.s32 @!p0 $0xFFFFF086;
	s6 =	sadd.s32 @!p0 s3, s7;
	s7 =	simm.s32 @!p0 $0x108  }
0x21: {  	s3 =	sadd.s32 s3, s9;
	s6 =	sadd.s32 @!p0 $0x88, s6;
	s7 =	simm.s32 @p2 $0x1082  }
0x22: {  	[simem:s7], [sflag:s8] =	dma.local @!p0 [hbm:s6], $0xF7A  }
0x23: {  	s9 =	sor.u32 $0xD0000000, s2;
	s6 =	simm.s32 $0x108;
	_ =	swait.ge @!p0 [sflag:s8], $0x0  }
0x24: {  	s3 =	sadd.s32 $0x88, s3;
	s6 =	simm.s32 @!p1 $0x1082;
	[sflag:s4] =	ssyncset.s32 $0xFFFFF086  }
0x25: {  	[simem:s6], [sflag:s4] =	dma.local [hbm:s3], $0xF7A  }
0x26: {  	[smem:$0x3F99] =	sst s1;
	(tag) =	ssettag s2;
	_ =	strace s9  }
0x27: {  	s1 =	sld [smem:$0x3FA9]  }
0x28: {  	s2 =	sld [smem:$0x3FAA]  }
0x29: {  	s4 =	sld [smem:$0x3FAC]  }
0x2a: {  	p0 =	seq.s32 s5, $0x0;
	s5 =	sld [smem:$0x3FAD]  }
0x2b: {  	s6 =	sld [smem:$0x3FAE]  }
0x2c: {  	s7 =	sld [smem:$0x3FAF]  }
0x2d: {  	s3 =	simm.s32 $0x108;
	s8 =	sld [smem:$0x3FB0]  }
0x2e: {  	s3 =	simm.s32 @!p0 $0x1082;
	s9 =	sld [smem:$0x3FB1]  }
0x2f: {  	lr =	sadd.s32 s0, s3;
	s0 =	sld [smem:$0x3FA8]  }
0x30: {  	s3 =	sld [smem:$0x3FAB]  }
0x31: {  	[smem:$0x3FB4] =	sst s10  }
0x32: {  	s10 =	sld [smem:$0x3FB2];
	_ =	sdelay $0x3  }
0x33: {  	p0 =	seq.s32 s10, $0x1;
	s10 =	sld [smem:$0x3FB4];
	_ =	sdelay $0x3  }
0x34: {  	[smem:$0x3FB4] =	sst s10  }
0x35: {  	s10 =	sld [smem:$0x3FB3];
	_ =	sdelay $0x3  }
0x36: {  	p1 =	seq.s32 s10, $0x1;
	s10 =	sld [smem:$0x3FB4];
	_ =	sdelay $0x3  }
0x37: {  	[smem:$0x3FB4] =	sst s10  }
0x38: {  	s10 =	sld [smem:$0x3FB5]  }
0x39: {  	_ = 	snop;
	(pc) =	sbr.ind lr, $3  }
0x3a: {  	_ = 	snop  }
0x3b: {  	_ = 	snop  }
0x3c: {  	p2 =	seq.s32 s10, $0x1;
	s10 =	sld [smem:$0x3FB4]  }
0x3d: {  	_ =	shalt  }
0x3e: {  	_ =	shalt  }
0x3f: {  	_ =	shalt  }
0x40: {  	_ =	shalt  }
0x41: {  	_ =	shalt  }
0x42: {  	_ =	shalt  }
0x43: {  	_ =	shalt  }
0x44: {  	_ =	shalt  }
0x45: {  	_ =	shalt  }
0x46: {  	_ =	shalt  }
0x47: {  	_ =	shalt  }
0x48: {  	_ =	shalt  }
0x49: {  	_ =	shalt  }
0x4a: {  	_ =	shalt  }
0x4b: {  	_ =	shalt  }
0x4c: {  	_ =	shalt  }
0x4d: {  	_ =	shalt  }
0x4e: {  	_ =	shalt  }
0x4f: {  	_ =	shalt  }
0x50: {  	_ =	shalt  }
0x51: {  	_ =	shalt  }
0x52: {  	_ =	shalt  }
0x53: {  	_ =	shalt  }
0x54: {  	_ =	shalt  }
0x55: {  	_ =	shalt  }
0x56: {  	_ =	shalt  }
0x57: {  	_ =	shalt  }
0x58: {  	_ =	shalt  }
0x59: {  	_ =	shalt  }
0x5a: {  	_ =	shalt  }
0x5b: {  	_ =	shalt  }
0x5c: {  	_ =	shalt  }
0x5d: {  	_ =	shalt  }
0x5e: {  	_ =	shalt  }
0x5f: {  	_ =	shalt  }
0x60: {  	_ =	shalt  }
0x61: {  	_ =	shalt  }
0x62: {  	_ =	shalt  }
0x63: {  	_ =	shalt  }
0x64: {  	_ =	shalt  }
0x65: {  	_ =	shalt  }
0x66: {  	_ =	shalt  }
0x67: {  	_ =	shalt  }
0x68: {  	_ =	shalt  }
0x69: {  	_ =	shalt  }
0x6a: {  	_ =	shalt  }
0x6b: {  	_ =	shalt  }
0x6c: {  	_ =	shalt  }
0x6d: {  	_ =	shalt  }
0x6e: {  	_ =	shalt  }
0x6f: {  	_ =	shalt  }
0x70: {  	_ =	shalt  }
0x71: {  	_ =	shalt  }
0x72: {  	_ =	shalt  }
0x73: {  	_ =	shalt  }
0x74: {  	_ =	shalt  }
0x75: {  	_ =	shalt  }
0x76: {  	_ =	shalt  }
0x77: {  	_ =	shalt  }
0x78: {  	_ =	shalt  }
0x79: {  	_ =	shalt  }
0x7a: {  	_ =	shalt  }
0x7b: {  	_ =	shalt  }
0x7c: {  	_ =	shalt  }
0x7d: {  	_ =	shalt  }
0x7e: {  	_ =	shalt  }
0x7f: {  	_ =	shalt  }
0x80: {  	_ =	shalt  }
0x81: {  	_ =	shalt  }
0x82: {  	_ =	shalt  }
0x83: {  	_ =	shalt  }
0x84: {  	_ =	shalt  }
0x85: {  	_ =	shalt  }
0x86: {  	_ =	shalt  }
0x87: {  	_ =	shalt  }
.Lfunc_end0:
.L_simem_size_0:
called_computation_lowered:
.L_overlay_start_0:
0x88: {  	s2 =	sld [smem:$0x3FD9]  }
0x89: {  	s3 =	sld [smem:$0x3FFE];
	_ =	sdelay $0x1  }
0x8a: {  	s1 =	srdreg.scid  }
0x8b: {  	s0 =	sand.u32 $0x1, s1  }
0x8c: {  	s17 =	sshll.u32 s0, $0xA;
	s2 =	sadd.s32 s3, s2  }
0x8d: {  	s2 =	sadd.s32 s2, s17  }
0x8e: {  	[smem:$0x3FC0] =	sst s2  }
0x8f: {  	_ = 	snop  }
0x90: {  	s2 =	sld [smem:$0x3FD0];
	(tm) =	ssettm $0x1  }
0x91: {  	s18 =	sld [smem:$0x3FFB];
	_ =	sdelay $0x3  }
0x92: {  	_ =	strace s18  }
0x93: {  	s3 =	sld [smem:$0x3FFC];
	_ =	sdelay $0x3  }
0x94: {  	_ =	strace s3  }
0x95: {  	s3 =	sld [smem:$0x3FFD];
	_ =	sdelay $0x3  }
0x96: {  	_ =	strace s3  }
0x97: {  	_ =	strace $0x8FFFFFFF  }
0x98: {  	s19 =	sld [smem:$0x3FDB];
	_ =	sdelay $0x1  }
0x99: {  	s4 =	simm.s32 $_scs_section_size  }
0x9a: {  	s5 =	simm.s32 $_size__tile_overlayer_lowered;
	s6 =	simm.s32 $_tile_overlayer_lowered  }
0x9b: {  	s22 =	simm.s32 $0x1BFF;
	s21 =	sshll.u32 s6, $0x1;
	s3 =	sadd.s32 s4, s19  }
0x9c: {  	s7 =	simm.s32 $0x0;
	s20 =	sshll.u32 s5, $0x1;
	s5 =	sadd.s32 s21, s3  }
0x9d: {  	[timem:s7], [sflag:s22] =	dma.local [hbm:s5], s20  }
0x9e: {  	_ =	swait.ge [sflag:s22], s20  }
0x9f: {  	s4 =	ssub.s32 $0x0, s20;
	[sflag:s22] =	ssyncset.done $0x0  }
0xa0: {  	[sflag:s22] =	ssyncadd.s32 s4;
	_ =	sdelay $0x1  }
0xa1: {  	s23 =	simm.s32 $0x1B8B  }
0xa2: {  	_ =	swait.ge [sflag:s23], $0x1  }
0xa3: {  	[sflag:s23] =	ssyncset.done $0x0  }
0xa4: {  	s25 =	simm.s32 $0x1B8E;
	s24 =	sld [smem:$0x3FFE];
	[sflag:s23] =	ssyncadd.s32 $0xFFFFFFFF  }
0xa5: {  	s26 =	simm.s32 $execute0_lowered;
	[smem:$0x3FD2] =	sst s25  }
0xa6: {  	s5 =	sshll.u32 s26, $0x1;
	_ =	strace $0x80000046;
	[dreg:$0x1] =	wrdreg $0xFFFFFFFF  }
0xa7: {  	s28 =	simm.s32 $_size_execute0_lowered;
	s3 =	sadd.s32 s3, s5;
	[dreg:$0x0] =	wrdreg $0x0  }
0xa8: {  	s5 =	sshll.u32 s28, $0x1;
	[dreg:$0x2] =	wrdreg s3  }
0xa9: {  	[dreg:$0x3] =	wrdreg s5  }
0xaa: {  	[dreg:$0x4] =	wrdreg $0xC0  }
0xab: {  	_ =	task [dreg:s7], $0x5FFFF  }
0xac: {  	[dreg:$0x1] =	wrdreg $0xFFFFFFFF  }
0xad: {  	[dreg:$0x0] =	wrdreg $0x60  }
0xae: {  	[dreg:$0x2] =	wrdreg s2  }
0xaf: {  	[dreg:$0x3] =	wrdreg s24  }
0xb0: {  	[dreg:$0x4] =	wrdreg $0x0  }
0xb1: {  	[dreg:$0x5] =	wrdreg $0x9  }
0xb2: {  	_ =	task.clear_ibuf [dreg:s7], $0x6FFFF;
	_ =	strace $0x90000046  }
0xb3: {  	s29 =	simm.s32 $0x9;
	_ =	strace $0x80000048  }
0xb4: {  	_ =	swait.ge [sflag:s29], $0x1  }
0xb5: {  	[sflag:s29] =	ssyncadd.s32 $0xFFFFFFFF  }
0xb6: {  	_ =	strace $0x90000048  }
0xb7: {  	_ =	sfence  }
0xb8: {  	s30 =	sld [smem:$0x0];
	_ =	sdelay $0x2  }
0xb9: {  	s31 =	sshll.u32 s1, $0xD;
	s1 =	sshrl.u32 s1, $0x2  }
0xba: {  	s3 =	sand.u32 $0x4000, s31;
	s1 =	sadd.s32 s1, s30  }
0xbb: {  	s0 =	sor.u32 s3, s0;
	s1 =	sshll.u32 s1, $0x11  }
0xbc: {  	s0 =	sor.u32 s1, s0  }
0xbd: {  	s0 =	sadd.s32 $0x8F2B, s0  }
0xbe: {  	[sflag:s0] =	ssyncadd.remote.s32 $0x1  }
0xbf: {  	_ =	sfence.sel $0xFFFF  }
0xc0: {  	[dreg:$0x0] =	wrdreg $0xFFFFFFFF;
	(pc) =	sbr.abs _section_cstart, $3  }
0xc1: {  	[dreg:$0x1] =	wrdreg $0xFFFFFFFF  }
0xc2: {  	_ =	task.clear_ibuf [dreg:s7], $0x2FFFF;
	_ =	strace $0x9FFFFFFF  }
0xc3: {  	(tm) =	ssettm $0x7FFFFFFF  }
tec
execute0_lowered:
.L_overlay_start_1:
0x0: {  	(tag) =	ssettag $0x1  }
0x1: {  	s7 =	rddreg [dreg:$0x0]  }
0x2: {  	s5 =	rddreg [dreg:$0x1]  }
0x3: {  	s2 =	rddreg [dreg:$0x2]  }
0x4: {  	s0 =	rddreg [dreg:$0x3]  }
0x5: {  	s1 =	stileid.u32;
	s4 =	srdreg.scid  }
0x6: {  	s3 =	simm.s32 $0x0;
	s14 =	simm.s32 $0x80;
	s15 =	simm.s32 $0x13C80  }
0x7: {  	s16 =	simm.s32 $0x13D00;
	s17 =	simm.s32 $0x13D80;
	s18 =	simm.s32 $0x13E00  }
0x8: {  	s19 =	simm.s32 $0x13E80;
	s20 =	simm.s32 $0x13F00;
	s21 =	simm.s32 $0x13F80  }
0x9: {  	s22 =	simm.s32 $0x1;
	s23 =	simm.s32 $0x0;
	s6 =	smul.u32 $0x2780, s1  }
0xa: {  	s8 =	sand.u32 $0x1, s4;
	[smem:$0x7FF] =	sst s3;
	s4 =	sadd.s32 $0x2B000, s5  }
0xb: {  	s11 =	smul.u32 $0x4F000, s1;
	s12 =	sshll.u32 s1, $0x1;
	s31 =	sshll.u32 s1, $0x6  }
0xc: {  	s9 =	smul.u32 $0x27800, s8;
	_ =	strace $0x80000047;
	s26 =	ssub.s32 $0x2, s8  }
0xd: {  	s29 =	sor.u32 s8, s12;
	s12 =	simm.s32 $0x16400;
	s10 =	sadd.s32 s6, s5  }
0xe: {  	s28 =	sshrl.u32 s26, $0x1;
	s30 =	sshrl.u32 s11, $0x2;
	s8 =	smul.u32 $0x500, s29  }
0xf: {  	s6 =	sadd.s32 s6, s9;
	s9 =	ssub.s32 s26, s28;
	s11 =	sadd.s32 s30, s2  }
0x10: {  	s13 =	sadd.s32 s6, s5;
	s5 =	sadd.s32 $0x3800, s10;
	s6 =	sor.u32 $0x1C02, s31  }
0x11: {  	s7 =	sadd.s32 s7, s8;
	s9 =	smax.u32 s9, $0x1;
	s10 =	sshrl.u32 s11, $0x3  }
0x12: {  	s11 =	simm.s32 $0x2;
	s8 =	sadd.s32 $0x2B800, s13;
	s13 =	simm.s32 $0x13C00  }
.LBB2_1:
0x13: {  	[spmem:s10], [sflag:s6] =	dma.local [hbm:s5], $0x2780  }
0x14: {  	_ =	swait.ge [sflag:s11], $0x2780  }
0x15: {  	[sflag:s11] =	ssyncset.done $0x0  }
0x16: {  	[sflag:s11] =	ssyncadd.s32 $0xFFFFD880  }
0x17: {  	[tilespmem:s12], [sflag:$0x2] =	stream.linear.gather [hbm4b:s4+s3], $0x4000, $0x38;
	[tilespmem:$0x1A400] =	vst v63  }
0x18: {  	_ =	swait.ge [sflag:s11], $0x4000  }
0x19: {  	[sflag:s11] =	ssyncset.done $0x0  }
0x1a: {  	[sflag:s11] =	ssyncadd.s32 $0xFFFFC000  }
0x1b: {  	[tilespmem:s13], [sflag:$0x2] =	stream.linear.gather [hbm4b:s7+s3], $0x2780, $0x38;
	[tilespmem:$0x1A400] =	vst v63  }
0x1c: {  	_ =	swait.ge [sflag:s11], $0x2780  }
0x1d: {  	[sflag:s11] =	ssyncset.done $0x0  }
0x1e: {  	[sflag:s11] =	ssyncadd.s32 $0xFFFFD880  }
0x1f: {  	[bflag:$0x0] =	sbarrier.arrive $0xFFFF  }
0x20: {  	[spmem:s2] =	stream.indirect.scatter.add.f32 [tilespmem:s12], [sflag:$0x1], $0x80, s13, s14, $0xb8;
	[tilespmem:$0x1A400] =	vst v63  }
0x21: {  	_ = 	snop  }
0x22: {  	[spmem:s2] =	stream.indirect.scatter.add.f32 [tilespmem:s12], [sflag:$0x1], $0x80, s15, s14, $0xb8;
	[tilespmem:$0x1A400] =	vst v63  }
0x23: {  	_ = 	snop  }
0x24: {  	[spmem:s2] =	stream.indirect.scatter.add.f32 [tilespmem:s12], [sflag:$0x1], $0x80, s16, s14, $0xb8;
	[tilespmem:$0x1A400] =	vst v63  }
0x25: {  	_ = 	snop  }
0x26: {  	[spmem:s2] =	stream.indirect.scatter.add.f32 [tilespmem:s12], [sflag:$0x1], $0x80, s17, s14, $0xb8;
	[tilespmem:$0x1A400] =	vst v63  }
0x27: {  	_ = 	snop  }
0x28: {  	[spmem:s2] =	stream.indirect.scatter.add.f32 [tilespmem:s12], [sflag:$0x1], $0x80, s18, s14, $0xb8;
	[tilespmem:$0x1A400] =	vst v63  }
0x29: {  	_ = 	snop  }
0x2a: {  	[spmem:s2] =	stream.indirect.scatter.add.f32 [tilespmem:s12], [sflag:$0x1], $0x80, s19, s14, $0xb8;
	[tilespmem:$0x1A400] =	vst v63  }
0x2b: {  	_ = 	snop  }
0x2c: {  	[spmem:s2] =	stream.indirect.scatter.add.f32 [tilespmem:s12], [sflag:$0x1], $0x80, s20, s14, $0xb8;
	[tilespmem:$0x1A400] =	vst v63  }
0x2d: {  	_ = 	snop  }
0x2e: {  	[spmem:s2] =	stream.indirect.scatter.add.f32 [tilespmem:s12], [sflag:$0x1], $0x80, s21, s14, $0xb8;
	[tilespmem:$0x1A400] =	vst v63  }
0x2f: {  	s24 =	simm.s32 $0x14000  }
0x30: {  	[spmem:s2] =	stream.indirect.scatter.add.f32 [tilespmem:s12], [sflag:$0x1], $0x80, s24, s14, $0xb8;
	[tilespmem:$0x1A400] =	vst v63  }
0x31: {  	s24 =	simm.s32 $0x1200;
	_ =	swait.ge [sflag:s22], $0x4000  }
.LBB2_2:
0x32: {  	s25 =	sshra.s32 s24, $0x2;
	[sflag:s22] =	ssyncset.done $0x0;
	p0 =	sne.s32 s24, $0x9C00  }
.Ltmp0:
0x33: {  	s25 =	sadd.s32 $0x13C00, s25;
	[sflag:s22] =	ssyncadd.s32 $0xFFFFC000;
	(pc) =	sbr.rel @p0 .LBB2_2-.Ltmp0, $3  }
0x34: {  	[spmem:s2] =	stream.indirect.scatter.add.f32 [tilespmem:s12], [sflag:$0x1], $0x80, s25, s14, $0xb8;
	[tilespmem:$0x1A400] =	vst v63  }
0x35: {  	s24 =	sadd.s32 $0x200, s24;
	_ =	sdelay $0x1  }
0x36: {  	_ =	swait.ge [sflag:s22], $0x4000  }
0x37: {  	[sflag:s22] =	ssyncset.done $0x0  }
0x38: {  	[sflag:s22] =	ssyncadd.s32 $0xFFFFC000  }
0x39: {  	_ =	swait.ge [sflag:s22], $0x4000  }
0x3a: {  	[sflag:s22] =	ssyncset.done $0x0  }
0x3b: {  	[sflag:s22] =	ssyncadd.s32 $0xFFFFC000  }
0x3c: {  	_ =	swait.ge [sflag:s22], $0x4000  }
0x3d: {  	[sflag:s22] =	ssyncset.done $0x0  }
0x3e: {  	[sflag:s22] =	ssyncadd.s32 $0xFFFFC000  }
0x3f: {  	_ =	swait.ge [sflag:s22], $0x4000  }
0x40: {  	[sflag:s22] =	ssyncset.done $0x0  }
0x41: {  	[sflag:s22] =	ssyncadd.s32 $0xFFFFC000  }
0x42: {  	_ =	swait.ge [sflag:s22], $0x4000  }
0x43: {  	[sflag:s22] =	ssyncset.done $0x0  }
0x44: {  	[sflag:s22] =	ssyncadd.s32 $0xFFFFC000  }
0x45: {  	_ =	swait.ge [sflag:s22], $0x4000  }
0x46: {  	[sflag:s22] =	ssyncset.done $0x0  }
0x47: {  	[sflag:s22] =	ssyncadd.s32 $0xFFFFC000  }
0x48: {  	_ =	swait.ge [sflag:s22], $0x4000  }
0x49: {  	[sflag:s22] =	ssyncset.done $0x0  }
0x4a: {  	[sflag:s22] =	ssyncadd.s32 $0xFFFFC000  }
0x4b: {  	_ =	swait.ge [sflag:s22], $0x4000  }
0x4c: {  	[sflag:s22] =	ssyncset.done $0x0  }
0x4d: {  	[sflag:s22] =	ssyncadd.s32 $0xFFFFC000  }
0x4e: {  	_ =	swait.ge [sflag:s22], $0x4000  }
0x4f: {  	s23 =	sadd.s32 $0x1, s23;
	[sflag:s22] =	ssyncset.done $0x0  }
0x50: {  	p0 =	sne.s32 s23, s9;
	[sflag:s22] =	ssyncadd.s32 $0xFFFFC000  }
.Ltmp1:
0x51: {  	[bflag:$0x0] =	sbarrier.arrive $0xFFFF;
	(pc) =	sbr.rel @p0 .LBB2_1-.Ltmp1, $4  }
0x52: {  	[hbm:s8], [sflag:s6] =	dma.local [spmem:s10], $0x2780  }
0x53: {  	_ =	swait.ge [sflag:s11], $0x2780  }
0x54: {  	[sflag:s11] =	ssyncset.done $0x0  }
0x55: {  	[sflag:s11] =	ssyncadd.s32 $0xFFFFD880  }
0x56: {  	_ =	sfence.sel $0x180000  }
0x57: {  	[bflag:$0x0] =	sbarrier.arrive $0xFFFF  }
0x58: {  	p0 =	sne.s32 s1, $0x0;
	_ =	strace $0x90000047  }
0x59: {  	s0 =	sadd.s32 @!p0 $0x100000, s0;
	[bflag:$0x2] =	sbarrier.arrive $0xFFFF  }
0x5a: {  	[sflag:s0] =	ssyncadd.tile.s32 @!p0 $0x1;
	_ =	shalt  }
.Lfunc_end2:
_tile_overlayer_lowered:
.L_overlay_start_2:
0x5b: {  	(tag) =	ssettag $0x2  }
0x5c: {  	s0 =	rddreg [dreg:$0x0];
	s2 =	stileid.u32  }
0x5d: {  	s1 =	rddreg [dreg:$0x1];
	p0 =	sne.s32 s2, $0x0  }
0x5e: {  	s3 =	rddreg [dreg:$0x2];
	[bflag:$0x3] =	sbarrier.arrive $0xFFFF;
	s2 =	simm.s32 @!p0 $0x1C02  }
0x5f: {  	[timem:s3], [sflag:s2] =	dma.local @!p0 [hbm:s0], s1  }
0x60: {  	s0 =	simm.s32 @!p0 $0x2  }
0x61: {  	_ =	swait.ge @!p0 [sflag:s0], s1  }
0x62: {  	s1 =	ssub.s32 @!p0 $0x0, s1;
	[sflag:s0] =	ssyncset.done @!p0 $0x0  }
0x63: {  	[sflag:s0] =	ssyncadd.s32 @!p0 s1  }
0x64: {  	[bflag:$0x3] =	sbarrier.arrive $0xFFFF  }
0x65: {  	_ =	shalt  }

</sc_bundles>
